<compile_context>
chip_gen: v7x
topology: tpu7x:2x2x1
jax: 0.10.2.dev20260603
libtpu: 0.0.44.dev20260713+nightly
codegen_flags: <defaults>
</compile_context>

<pallas_src>
import functools

import jax
import jax.numpy as jnp
from jax import lax
from jax.experimental import pallas as pl
from jax.experimental.pallas import tpu as pltpu
from jax.experimental.pallas import tpu_sc as plsc

F = 13
V = 100000
E = 32
B = 16384
H1 = 256
H2 = 128
EPS = 1e-12

TOT = B * F
NW = 32
PW = TOT // NW
CH = 1664
NCH = PW // CH

K1CV = 3200
K1NB = 32


def _k1_body(x_ref, o_ref):
    x = x_ref[0]
    t = jnp.transpose(x, (1, 0))
    t3 = t.reshape(K1CV // 4, 4, E)
    for q in range(4):
        o_ref[0, :, q * E:(q + 1) * E] = t3[:, q, :]


def _k1_transpose(tab3):
    return pl.pallas_call(
        _k1_body,
        grid=(F, K1NB),
        in_specs=[pl.BlockSpec((1, 32, K1CV), lambda f, k: (f, 0, k))],
        out_specs=pl.BlockSpec((1, K1CV // 4, 128), lambda f, k: (f, k, 0)),
        out_shape=jax.ShapeDtypeStruct((F, V // 4, 128), jnp.float32),
        compiler_params=pltpu.CompilerParams(
            fuse_transposed_lhs_in_matmul=True),
    )(tab3)


def _k2_gather_fn():
    mesh = plsc.VectorSubcoreMesh(core_axis_name="c", subcore_axis_name="s")

    @functools.partial(
        pl.kernel,
        mesh=mesh,
        out_type=jax.ShapeDtypeStruct((TOT, E), jnp.float32),
        scratch_types=[
            pltpu.VMEM((CH,), jnp.int32),
            pltpu.VMEM((CH, E), jnp.float32),
            pltpu.SemaphoreType.DMA,
        ],
        compiler_params=pltpu.CompilerParams(use_tc_tiling_on_sc=False),
    )
    def k2(idx_hbm, tab_hbm, out_hbm, idx_v, rows_v, sem):
        wid = lax.axis_index("s") * 2 + lax.axis_index("c")
        for c in range(NCH):
            base = wid * PW + c * CH
            pltpu.sync_copy(idx_hbm.at[pl.ds(base, CH)], idx_v)
            pltpu.async_copy(tab_hbm.at[idx_v], rows_v, sem).wait()
            pltpu.sync_copy(rows_v, out_hbm.at[pl.ds(base, CH)])

    return k2


_K2 = _k2_gather_fn()

BBG = 512
NBLK = (B // 4) // BBG


def _k3_body(xu_ref, xi_ref, w1u_ref, w1i_ref, w2u_ref, w2i_ref,
             b1u_ref, b1i_ref, b2u_ref, b2i_ref, m_ref, out_ref):
    xu = jnp.concatenate([xu_ref[p].astype(jnp.bfloat16) for p in range(F)],
                         axis=1)
    xi = jnp.concatenate([xi_ref[p].astype(jnp.bfloat16) for p in range(F)],
                         axis=1)
    hu = jnp.maximum(
        jnp.dot(xu, w1u_ref[...], preferred_element_type=jnp.float32)
        + b1u_ref[...], 0.0).astype(jnp.bfloat16)
    hi = jnp.maximum(
        jnp.dot(xi, w1i_ref[...], preferred_element_type=jnp.float32)
        + b1i_ref[...], 0.0).astype(jnp.bfloat16)
    zu = jnp.maximum(
        jnp.dot(hu, w2u_ref[...], preferred_element_type=jnp.float32)
        + b2u_ref[...], 0.0)
    zi = jnp.maximum(
        jnp.dot(hi, w2i_ref[...], preferred_element_type=jnp.float32)
        + b2i_ref[...], 0.0)
    m = m_ref[...]
    dots = jnp.dot(zu * zi, m, preferred_element_type=jnp.float32)
    nu = jnp.dot(zu * zu, m, preferred_element_type=jnp.float32)
    ni = jnp.dot(zi * zi, m, preferred_element_type=jnp.float32)
    den = (jnp.maximum(jnp.sqrt(nu), EPS)
           * jnp.maximum(jnp.sqrt(ni), EPS))
    out_ref[...] = jax.nn.sigmoid(dots / den)


def _k3(xu3, xi3, w1u, w1i, w2u, w2i, b1u, b1i, b2u, b2i, m):
    full = lambda shape: pl.BlockSpec(shape, lambda i: (0,) * len(shape))
    return pl.pallas_call(
        _k3_body,
        grid=(NBLK,),
        in_specs=[
            pl.BlockSpec((F, BBG, 128), lambda i: (0, i, 0)),
            pl.BlockSpec((F, BBG, 128), lambda i: (0, i, 0)),
            full((F * 128, 4 * H1)), full((F * 128, 4 * H1)),
            full((4 * H1, 4 * H2)), full((4 * H1, 4 * H2)),
            full((1, 4 * H1)), full((1, 4 * H1)),
            full((1, 4 * H2)), full((1, 4 * H2)),
            full((4 * H2, 4)),
        ],
        out_specs=pl.BlockSpec((BBG, 4), lambda i: (i, 0)),
        out_shape=jax.ShapeDtypeStruct((B // 4, 4), jnp.float32),
    )(xu3, xi3, w1u, w1i, w2u, w2i, b1u, b1i, b2u, b2i, m)


def _blockdiag_w1(w1):
    w1r = w1.reshape(F, E, H1)
    out = jnp.zeros((F, 4, E, 4, H1), w1.dtype)
    for q in range(4):
        out = out.at[:, q, :, q, :].set(w1r)
    return out.reshape(F * 4 * E, 4 * H1).astype(jnp.bfloat16)


def _blockdiag_w2(w2):
    out = jnp.zeros((4, H1, 4, H2), w2.dtype)
    for q in range(4):
        out = out.at[q, :, q, :].set(w2)
    return out.reshape(4 * H1, 4 * H2).astype(jnp.bfloat16)


def kernel(user_idx, item_idx, user_tables, item_tables,
           Wu1, bu1, Wu2, bu2, Wi1, bi1, Wi2, bi2):
    ut3 = user_tables.transpose(0, 2, 1)
    it3 = item_tables.transpose(0, 2, 1)
    offs = (jnp.arange(F, dtype=jnp.int32) * V)[:, None]
    uidx = (user_idx.T + offs).reshape(-1)
    iidx = (item_idx.T + offs).reshape(-1)

    tu = _k1_transpose(ut3)
    xu = _K2(uidx, tu.reshape(F * V, E))
    ti = _k1_transpose(it3)
    xi = _K2(iidx, ti.reshape(F * V, E))
    xu3 = xu.reshape(F, B // 4, 128)
    xi3 = xi.reshape(F, B // 4, 128)

    m = jnp.kron(jnp.eye(4, dtype=jnp.float32),
                 jnp.ones((H2, 1), jnp.float32))
    y4 = _k3(xu3, xi3,
             _blockdiag_w1(Wu1), _blockdiag_w1(Wi1),
             _blockdiag_w2(Wu2), _blockdiag_w2(Wi2),
             jnp.tile(bu1, 4)[None], jnp.tile(bi1, 4)[None],
             jnp.tile(bu2, 4)[None], jnp.tile(bi2, 4)[None], m)
    return y4.reshape(B)

# --- scband reference (transcript-rebuilt; emitter-appended) ---
"""Pipeline reference for scband-dssm-80882824118949 (READ-ONLY COPY).

The authoritative reference and input builder live on the scoring server;
editing this copy changes nothing except your own understanding.
"""

import jax, jax.numpy as jnp
import numpy as np

NUM_FIELDS = 13
VOCAB = 100000
EMB = 32
BATCH = 16384
USER_DIMS = NUM_FIELDS * EMB  # 416
ITEM_DIMS = NUM_FIELDS * EMB  # 416
H1, H2 = 256, 128
TEMPERATURE = 1.0
EPS = 1e-12


def setup_inputs(seed: int = 0) -> dict:
    key = jax.random.key(seed)
    ks = jax.random.split(key, 14)
    user_idx = jax.random.randint(ks[0], (BATCH, NUM_FIELDS), 0, VOCAB)
    item_idx = jax.random.randint(ks[1], (BATCH, NUM_FIELDS), 0, VOCAB)
    # Embedding tables: one [VOCAB, EMB] table per sparse field, stacked.
    user_tables = jax.random.normal(ks[2], (NUM_FIELDS, VOCAB, EMB), dtype=jnp.float32) * 0.01
    item_tables = jax.random.normal(ks[3], (NUM_FIELDS, VOCAB, EMB), dtype=jnp.float32) * 0.01
    # User tower MLP (output_layer=False): 416 -> 256 -> 128, relu each layer.
    Wu1 = jax.random.normal(ks[4], (USER_DIMS, H1), dtype=jnp.float32) * (1.0 / np.sqrt(USER_DIMS))
    bu1 = jnp.zeros((H1,), dtype=jnp.float32)
    Wu2 = jax.random.normal(ks[5], (H1, H2), dtype=jnp.float32) * (1.0 / np.sqrt(H1))
    bu2 = jnp.zeros((H2,), dtype=jnp.float32)
    # Item tower MLP: 416 -> 256 -> 128
    Wi1 = jax.random.normal(ks[6], (ITEM_DIMS, H1), dtype=jnp.float32) * (1.0 / np.sqrt(ITEM_DIMS))
    bi1 = jnp.zeros((H1,), dtype=jnp.float32)
    Wi2 = jax.random.normal(ks[7], (H1, H2), dtype=jnp.float32) * (1.0 / np.sqrt(H1))
    bi2 = jnp.zeros((H2,), dtype=jnp.float32)
    return {
        "user_idx": user_idx, "item_idx": item_idx,
        "user_tables": user_tables, "item_tables": item_tables,
        "Wu1": Wu1, "bu1": bu1, "Wu2": Wu2, "bu2": bu2,
        "Wi1": Wi1, "bi1": bi1, "Wi2": Wi2, "bi2": bi2,
    }


def _gather_concat(tables, idx):
    # tables: [F, V, E], idx: [B, F] -> [B, F*E]
    f = jnp.arange(NUM_FIELDS)[None, :]
    emb = tables[f, idx]  # [B, F, E] via gather
    return emb.reshape(idx.shape[0], NUM_FIELDS * EMB)


def _mlp(x, W1, b1, W2, b2):
    x = jax.nn.relu(x @ W1 + b1)
    x = jax.nn.relu(x @ W2 + b2)
    return x


def _l2norm(x):
    n = jnp.sqrt(jnp.sum(x * x, axis=1, keepdims=True))
    return x / jnp.maximum(n, EPS)


def reference(user_idx, item_idx, user_tables, item_tables,
              Wu1, bu1, Wu2, bu2, Wi1, bi1, Wi2, bi2):
    # user tower
    input_user = _gather_concat(user_tables, user_idx)
    user_embedding = _l2norm(_mlp(input_user, Wu1, bu1, Wu2, bu2))
    # item tower (training_mode=0, point-wise)
    input_item = _gather_concat(item_tables, item_idx)
    item_embedding = _l2norm(_mlp(input_item, Wi1, bi1, Wi2, bi2))
    y = jnp.sum(user_embedding * item_embedding, axis=1) / TEMPERATURE
    return jax.nn.sigmoid(y)

if __name__ == "__main__":
    import jax
    _d = setup_inputs()
    print(jax.jit(kernel)(*tuple(_d.values())))

</pallas_src>

<mosaic_0001>
#map = affine_map<(d0, d1) -> (0)>
#map1 = affine_map<(d0, d1) -> (0, 0)>
module attributes {stable_mosaic.version = 14 : i64} {
  func.func @k2(%arg0: i32, %arg1: i32, %arg2: memref<212992xi32, #tpu.memory_space<hbm>>, %arg3: memref<1300000x32xf32, #tpu.memory_space<hbm>>, %arg4: memref<212992x32xf32, #tpu.memory_space<hbm>>, %arg5: memref<1664xi32, #tpu.memory_space<vmem>>, %arg6: memref<1664x32xf32, #tpu.memory_space<vmem>>, %arg7: memref<!tpu.dma_semaphore, #tpu.memory_space<semaphore_mem>>) attributes {dimension_semantics = [#tpu.dimension_semantics<core_parallel>, #tpu.dimension_semantics<subcore_parallel>], iteration_bounds = array<i64: 2, 16>, scalar_prefetch = 0 : i64, scratch_operands = 3 : i64, tpu.core_type = #tpu.core_type<sc_vector_subcore>, window_params = [{transform_indices = #map}, {transform_indices = #map1}, {transform_indices = #map1}]} {
    %mul3A = arith.constant 2 : i32
    %mul3A_0 = arith.muli %arg1, %mul3A : i32
    %add3A = arith.addi %mul3A_0, %arg0 : i32
    %mul3A_1 = arith.constant 6656 : i32
    %mul3A_2 = arith.muli %add3A, %mul3A_1 : i32
    %add3A_3 = arith.constant 0 : i32
    %add3A_4 = arith.addi %mul3A_2, %add3A_3 : i32
    "tpu.region"() ({
      %run_scoped3A = tpu.sem_alloc : memref<!tpu.dma_semaphore, #tpu.memory_space<semaphore_mem>>
      %dma_start3A_39 = tpu.memref_slice %arg2[%add3A_4] : memref<212992xi32, #tpu.memory_space<hbm>> -> memref<1664xi32, #tpu.memory_space<hbm>>
      %dma_start3A_40 = tpu.memref_slice %arg2[%add3A_4] : memref<212992xi32, #tpu.memory_space<hbm>> -> memref<1664xi32, #tpu.memory_space<hbm>>
      tpu.enqueue_dma source(%dma_start3A_40 : memref<1664xi32, #tpu.memory_space<hbm>>) target(%arg5 : memref<1664xi32, #tpu.memory_space<vmem>>) target_semaphore(%run_scoped3A : memref<!tpu.dma_semaphore, #tpu.memory_space<semaphore_mem>>)
      %dma_wait3A_41 = tpu.memref_slice %arg2[%add3A_4] : memref<212992xi32, #tpu.memory_space<hbm>> -> memref<1664xi32, #tpu.memory_space<hbm>>
      %dma_wait3A_42 = tpu.memref_slice %arg2[%add3A_4] : memref<212992xi32, #tpu.memory_space<hbm>> -> memref<1664xi32, #tpu.memory_space<hbm>>
      tpu.wait_dma2 semaphore(%run_scoped3A : memref<!tpu.dma_semaphore, #tpu.memory_space<semaphore_mem>>) src(%dma_wait3A_42 : memref<1664xi32, #tpu.memory_space<hbm>>) dst(%arg5 : memref<1664xi32, #tpu.memory_space<vmem>>)
      tpu.yield
    }) : () -> ()
    %dma_start3A = arith.constant 0 : i32
    %dma_start3A_5 = arith.constant 0 : i32
    %dma_start3A_6 = tpu.memref_slice %arg3[%dma_start3A, %dma_start3A_5] : memref<1300000x32xf32, #tpu.memory_space<hbm>> -> memref<1300000x32xf32, #tpu.memory_space<hbm>>
    tpu.enqueue_indirect_dma source(%dma_start3A_6 : memref<1300000x32xf32, #tpu.memory_space<hbm>>) target(%arg6 : memref<1664x32xf32, #tpu.memory_space<vmem>>) offsets(%arg5 : memref<1664xi32, #tpu.memory_space<vmem>>) semaphore(%arg7 : memref<!tpu.dma_semaphore, #tpu.memory_space<semaphore_mem>>)
    %dma_wait3A = arith.constant 0 : i32
    %dma_wait3A_7 = arith.constant 0 : i32
    %dma_wait3A_8 = tpu.memref_slice %arg3[%dma_wait3A, %dma_wait3A_7] : memref<1300000x32xf32, #tpu.memory_space<hbm>> -> memref<1300000x32xf32, #tpu.memory_space<hbm>>
    tpu.wait_indirect_dma semaphore(%arg7 : memref<!tpu.dma_semaphore, #tpu.memory_space<semaphore_mem>>) src(%dma_wait3A_8 : memref<1300000x32xf32, #tpu.memory_space<hbm>>) dst(%arg6 : memref<1664x32xf32, #tpu.memory_space<vmem>>)
    "tpu.region"() ({
      %run_scoped3A = tpu.sem_alloc : memref<!tpu.dma_semaphore, #tpu.memory_space<semaphore_mem>>
      %dma_start3A_39 = arith.constant 0 : i32
      %dma_start3A_40 = tpu.memref_slice %arg4[%add3A_4, %dma_start3A_39] : memref<212992x32xf32, #tpu.memory_space<hbm>> -> memref<1664x32xf32, #tpu.memory_space<hbm>>
      %dma_start3A_41 = arith.constant 0 : i32
      %dma_start3A_42 = tpu.memref_slice %arg4[%add3A_4, %dma_start3A_41] : memref<212992x32xf32, #tpu.memory_space<hbm>> -> memref<1664x32xf32, #tpu.memory_space<hbm>>
      tpu.enqueue_dma source(%arg6 : memref<1664x32xf32, #tpu.memory_space<vmem>>) target(%dma_start3A_42 : memref<1664x32xf32, #tpu.memory_space<hbm>>) target_semaphore(%run_scoped3A : memref<!tpu.dma_semaphore, #tpu.memory_space<semaphore_mem>>)
      %dma_wait3A_43 = arith.constant 0 : i32
      %dma_wait3A_44 = tpu.memref_slice %arg4[%add3A_4, %dma_wait3A_43] : memref<212992x32xf32, #tpu.memory_space<hbm>> -> memref<1664x32xf32, #tpu.memory_space<hbm>>
      %dma_wait3A_45 = arith.constant 0 : i32
      %dma_wait3A_46 = tpu.memref_slice %arg4[%add3A_4, %dma_wait3A_45] : memref<212992x32xf32, #tpu.memory_space<hbm>> -> memref<1664x32xf32, #tpu.memory_space<hbm>>
      tpu.wait_dma2 semaphore(%run_scoped3A : memref<!tpu.dma_semaphore, #tpu.memory_space<semaphore_mem>>) src(%arg6 : memref<1664x32xf32, #tpu.memory_space<vmem>>) dst(%dma_wait3A_46 : memref<1664x32xf32, #tpu.memory_space<hbm>>)
      tpu.yield
    }) : () -> ()
    %mul3A_9 = arith.constant 6656 : i32
    %mul3A_10 = arith.muli %add3A, %mul3A_9 : i32
    %add3A_11 = arith.constant 1664 : i32
    %add3A_12 = arith.addi %mul3A_10, %add3A_11 : i32
    "tpu.region"() ({
      %run_scoped3A = tpu.sem_alloc : memref<!tpu.dma_semaphore, #tpu.memory_space<semaphore_mem>>
      %dma_start3A_39 = tpu.memref_slice %arg2[%add3A_12] : memref<212992xi32, #tpu.memory_space<hbm>> -> memref<1664xi32, #tpu.memory_space<hbm>>
      %dma_start3A_40 = tpu.memref_slice %arg2[%add3A_12] : memref<212992xi32, #tpu.memory_space<hbm>> -> memref<1664xi32, #tpu.memory_space<hbm>>
      tpu.enqueue_dma source(%dma_start3A_40 : memref<1664xi32, #tpu.memory_space<hbm>>) target(%arg5 : memref<1664xi32, #tpu.memory_space<vmem>>) target_semaphore(%run_scoped3A : memref<!tpu.dma_semaphore, #tpu.memory_space<semaphore_mem>>)
      %dma_wait3A_41 = tpu.memref_slice %arg2[%add3A_12] : memref<212992xi32, #tpu.memory_space<hbm>> -> memref<1664xi32, #tpu.memory_space<hbm>>
      %dma_wait3A_42 = tpu.memref_slice %arg2[%add3A_12] : memref<212992xi32, #tpu.memory_space<hbm>> -> memref<1664xi32, #tpu.memory_space<hbm>>
      tpu.wait_dma2 semaphore(%run_scoped3A : memref<!tpu.dma_semaphore, #tpu.memory_space<semaphore_mem>>) src(%dma_wait3A_42 : memref<1664xi32, #tpu.memory_space<hbm>>) dst(%arg5 : memref<1664xi32, #tpu.memory_space<vmem>>)
      tpu.yield
    }) : () -> ()
    %dma_start3A_13 = arith.constant 0 : i32
    %dma_start3A_14 = arith.constant 0 : i32
    %dma_start3A_15 = tpu.memref_slice %arg3[%dma_start3A_13, %dma_start3A_14] : memref<1300000x32xf32, #tpu.memory_space<hbm>> -> memref<1300000x32xf32, #tpu.memory_space<hbm>>
    tpu.enqueue_indirect_dma source(%dma_start3A_15 : memref<1300000x32xf32, #tpu.memory_space<hbm>>) target(%arg6 : memref<1664x32xf32, #tpu.memory_space<vmem>>) offsets(%arg5 : memref<1664xi32, #tpu.memory_space<vmem>>) semaphore(%arg7 : memref<!tpu.dma_semaphore, #tpu.memory_space<semaphore_mem>>)
    %dma_wait3A_16 = arith.constant 0 : i32
    %dma_wait3A_17 = arith.constant 0 : i32
    %dma_wait3A_18 = tpu.memref_slice %arg3[%dma_wait3A_16, %dma_wait3A_17] : memref<1300000x32xf32, #tpu.memory_space<hbm>> -> memref<1300000x32xf32, #tpu.memory_space<hbm>>
    tpu.wait_indirect_dma semaphore(%arg7 : memref<!tpu.dma_semaphore, #tpu.memory_space<semaphore_mem>>) src(%dma_wait3A_18 : memref<1300000x32xf32, #tpu.memory_space<hbm>>) dst(%arg6 : memref<1664x32xf32, #tpu.memory_space<vmem>>)
    "tpu.region"() ({
      %run_scoped3A = tpu.sem_alloc : memref<!tpu.dma_semaphore, #tpu.memory_space<semaphore_mem>>
      %dma_start3A_39 = arith.constant 0 : i32
      %dma_start3A_40 = tpu.memref_slice %arg4[%add3A_12, %dma_start3A_39] : memref<212992x32xf32, #tpu.memory_space<hbm>> -> memref<1664x32xf32, #tpu.memory_space<hbm>>
      %dma_start3A_41 = arith.constant 0 : i32
      %dma_start3A_42 = tpu.memref_slice %arg4[%add3A_12, %dma_start3A_41] : memref<212992x32xf32, #tpu.memory_space<hbm>> -> memref<1664x32xf32, #tpu.memory_space<hbm>>
      tpu.enqueue_dma source(%arg6 : memref<1664x32xf32, #tpu.memory_space<vmem>>) target(%dma_start3A_42 : memref<1664x32xf32, #tpu.memory_space<hbm>>) target_semaphore(%run_scoped3A : memref<!tpu.dma_semaphore, #tpu.memory_space<semaphore_mem>>)
      %dma_wait3A_43 = arith.constant 0 : i32
      %dma_wait3A_44 = tpu.memref_slice %arg4[%add3A_12, %dma_wait3A_43] : memref<212992x32xf32, #tpu.memory_space<hbm>> -> memref<1664x32xf32, #tpu.memory_space<hbm>>
      %dma_wait3A_45 = arith.constant 0 : i32
      %dma_wait3A_46 = tpu.memref_slice %arg4[%add3A_12, %dma_wait3A_45] : memref<212992x32xf32, #tpu.memory_space<hbm>> -> memref<1664x32xf32, #tpu.memory_space<hbm>>
      tpu.wait_dma2 semaphore(%run_scoped3A : memref<!tpu.dma_semaphore, #tpu.memory_space<semaphore_mem>>) src(%arg6 : memref<1664x32xf32, #tpu.memory_space<vmem>>) dst(%dma_wait3A_46 : memref<1664x32xf32, #tpu.memory_space<hbm>>)
      tpu.yield
    }) : () -> ()
    %mul3A_19 = arith.constant 6656 : i32
    %mul3A_20 = arith.muli %add3A, %mul3A_19 : i32
    %add3A_21 = arith.constant 3328 : i32
    %add3A_22 = arith.addi %mul3A_20, %add3A_21 : i32
    "tpu.region"() ({
      %run_scoped3A = tpu.sem_alloc : memref<!tpu.dma_semaphore, #tpu.memory_space<semaphore_mem>>
      %dma_start3A_39 = tpu.memref_slice %arg2[%add3A_22] : memref<212992xi32, #tpu.memory_space<hbm>> -> memref<1664xi32, #tpu.memory_space<hbm>>
      %dma_start3A_40 = tpu.memref_slice %arg2[%add3A_22] : memref<212992xi32, #tpu.memory_space<hbm>> -> memref<1664xi32, #tpu.memory_space<hbm>>
      tpu.enqueue_dma source(%dma_start3A_40 : memref<1664xi32, #tpu.memory_space<hbm>>) target(%arg5 : memref<1664xi32, #tpu.memory_space<vmem>>) target_semaphore(%run_scoped3A : memref<!tpu.dma_semaphore, #tpu.memory_space<semaphore_mem>>)
      %dma_wait3A_41 = tpu.memref_slice %arg2[%add3A_22] : memref<212992xi32, #tpu.memory_space<hbm>> -> memref<1664xi32, #tpu.memory_space<hbm>>
      %dma_wait3A_42 = tpu.memref_slice %arg2[%add3A_22] : memref<212992xi32, #tpu.memory_space<hbm>> -> memref<1664xi32, #tpu.memory_space<hbm>>
      tpu.wait_dma2 semaphore(%run_scoped3A : memref<!tpu.dma_semaphore, #tpu.memory_space<semaphore_mem>>) src(%dma_wait3A_42 : memref<1664xi32, #tpu.memory_space<hbm>>) dst(%arg5 : memref<1664xi32, #tpu.memory_space<vmem>>)
      tpu.yield
    }) : () -> ()
    %dma_start3A_23 = arith.constant 0 : i32
    %dma_start3A_24 = arith.constant 0 : i32
    %dma_start3A_25 = tpu.memref_slice %arg3[%dma_start3A_23, %dma_start3A_24] : memref<1300000x32xf32, #tpu.memory_space<hbm>> -> memref<1300000x32xf32, #tpu.memory_space<hbm>>
    tpu.enqueue_indirect_dma source(%dma_start3A_25 : memref<1300000x32xf32, #tpu.memory_space<hbm>>) target(%arg6 : memref<1664x32xf32, #tpu.memory_space<vmem>>) offsets(%arg5 : memref<1664xi32, #tpu.memory_space<vmem>>) semaphore(%arg7 : memref<!tpu.dma_semaphore, #tpu.memory_space<semaphore_mem>>)
    %dma_wait3A_26 = arith.constant 0 : i32
    %dma_wait3A_27 = arith.constant 0 : i32
    %dma_wait3A_28 = tpu.memref_slice %arg3[%dma_wait3A_26, %dma_wait3A_27] : memref<1300000x32xf32, #tpu.memory_space<hbm>> -> memref<1300000x32xf32, #tpu.memory_space<hbm>>
    tpu.wait_indirect_dma semaphore(%arg7 : memref<!tpu.dma_semaphore, #tpu.memory_space<semaphore_mem>>) src(%dma_wait3A_28 : memref<1300000x32xf32, #tpu.memory_space<hbm>>) dst(%arg6 : memref<1664x32xf32, #tpu.memory_space<vmem>>)
    "tpu.region"() ({
      %run_scoped3A = tpu.sem_alloc : memref<!tpu.dma_semaphore, #tpu.memory_space<semaphore_mem>>
      %dma_start3A_39 = arith.constant 0 : i32
      %dma_start3A_40 = tpu.memref_slice %arg4[%add3A_22, %dma_start3A_39] : memref<212992x32xf32, #tpu.memory_space<hbm>> -> memref<1664x32xf32, #tpu.memory_space<hbm>>
      %dma_start3A_41 = arith.constant 0 : i32
      %dma_start3A_42 = tpu.memref_slice %arg4[%add3A_22, %dma_start3A_41] : memref<212992x32xf32, #tpu.memory_space<hbm>> -> memref<1664x32xf32, #tpu.memory_space<hbm>>
      tpu.enqueue_dma source(%arg6 : memref<1664x32xf32, #tpu.memory_space<vmem>>) target(%dma_start3A_42 : memref<1664x32xf32, #tpu.memory_space<hbm>>) target_semaphore(%run_scoped3A : memref<!tpu.dma_semaphore, #tpu.memory_space<semaphore_mem>>)
      %dma_wait3A_43 = arith.constant 0 : i32
      %dma_wait3A_44 = tpu.memref_slice %arg4[%add3A_22, %dma_wait3A_43] : memref<212992x32xf32, #tpu.memory_space<hbm>> -> memref<1664x32xf32, #tpu.memory_space<hbm>>
      %dma_wait3A_45 = arith.constant 0 : i32
      %dma_wait3A_46 = tpu.memref_slice %arg4[%add3A_22, %dma_wait3A_45] : memref<212992x32xf32, #tpu.memory_space<hbm>> -> memref<1664x32xf32, #tpu.memory_space<hbm>>
      tpu.wait_dma2 semaphore(%run_scoped3A : memref<!tpu.dma_semaphore, #tpu.memory_space<semaphore_mem>>) src(%arg6 : memref<1664x32xf32, #tpu.memory_space<vmem>>) dst(%dma_wait3A_46 : memref<1664x32xf32, #tpu.memory_space<hbm>>)
      tpu.yield
    }) : () -> ()
    %mul3A_29 = arith.constant 6656 : i32
    %mul3A_30 = arith.muli %add3A, %mul3A_29 : i32
    %add3A_31 = arith.constant 4992 : i32
    %add3A_32 = arith.addi %mul3A_30, %add3A_31 : i32
    "tpu.region"() ({
      %run_scoped3A = tpu.sem_alloc : memref<!tpu.dma_semaphore, #tpu.memory_space<semaphore_mem>>
      %dma_start3A_39 = tpu.memref_slice %arg2[%add3A_32] : memref<212992xi32, #tpu.memory_space<hbm>> -> memref<1664xi32, #tpu.memory_space<hbm>>
      %dma_start3A_40 = tpu.memref_slice %arg2[%add3A_32] : memref<212992xi32, #tpu.memory_space<hbm>> -> memref<1664xi32, #tpu.memory_space<hbm>>
      tpu.enqueue_dma source(%dma_start3A_40 : memref<1664xi32, #tpu.memory_space<hbm>>) target(%arg5 : memref<1664xi32, #tpu.memory_space<vmem>>) target_semaphore(%run_scoped3A : memref<!tpu.dma_semaphore, #tpu.memory_space<semaphore_mem>>)
      %dma_wait3A_41 = tpu.memref_slice %arg2[%add3A_32] : memref<212992xi32, #tpu.memory_space<hbm>> -> memref<1664xi32, #tpu.memory_space<hbm>>
      %dma_wait3A_42 = tpu.memref_slice %arg2[%add3A_32] : memref<212992xi32, #tpu.memory_space<hbm>> -> memref<1664xi32, #tpu.memory_space<hbm>>
      tpu.wait_dma2 semaphore(%run_scoped3A : memref<!tpu.dma_semaphore, #tpu.memory_space<semaphore_mem>>) src(%dma_wait3A_42 : memref<1664xi32, #tpu.memory_space<hbm>>) dst(%arg5 : memref<1664xi32, #tpu.memory_space<vmem>>)
      tpu.yield
    }) : () -> ()
    %dma_start3A_33 = arith.constant 0 : i32
    %dma_start3A_34 = arith.constant 0 : i32
    %dma_start3A_35 = tpu.memref_slice %arg3[%dma_start3A_33, %dma_start3A_34] : memref<1300000x32xf32, #tpu.memory_space<hbm>> -> memref<1300000x32xf32, #tpu.memory_space<hbm>>
    tpu.enqueue_indirect_dma source(%dma_start3A_35 : memref<1300000x32xf32, #tpu.memory_space<hbm>>) target(%arg6 : memref<1664x32xf32, #tpu.memory_space<vmem>>) offsets(%arg5 : memref<1664xi32, #tpu.memory_space<vmem>>) semaphore(%arg7 : memref<!tpu.dma_semaphore, #tpu.memory_space<semaphore_mem>>)
    %dma_wait3A_36 = arith.constant 0 : i32
    %dma_wait3A_37 = arith.constant 0 : i32
    %dma_wait3A_38 = tpu.memref_slice %arg3[%dma_wait3A_36, %dma_wait3A_37] : memref<1300000x32xf32, #tpu.memory_space<hbm>> -> memref<1300000x32xf32, #tpu.memory_space<hbm>>
    tpu.wait_indirect_dma semaphore(%arg7 : memref<!tpu.dma_semaphore, #tpu.memory_space<semaphore_mem>>) src(%dma_wait3A_38 : memref<1300000x32xf32, #tpu.memory_space<hbm>>) dst(%arg6 : memref<1664x32xf32, #tpu.memory_space<vmem>>)
    "tpu.region"() ({
      %run_scoped3A = tpu.sem_alloc : memref<!tpu.dma_semaphore, #tpu.memory_space<semaphore_mem>>
      %dma_start3A_39 = arith.constant 0 : i32
      %dma_start3A_40 = tpu.memref_slice %arg4[%add3A_32, %dma_start3A_39] : memref<212992x32xf32, #tpu.memory_space<hbm>> -> memref<1664x32xf32, #tpu.memory_space<hbm>>
      %dma_start3A_41 = arith.constant 0 : i32
      %dma_start3A_42 = tpu.memref_slice %arg4[%add3A_32, %dma_start3A_41] : memref<212992x32xf32, #tpu.memory_space<hbm>> -> memref<1664x32xf32, #tpu.memory_space<hbm>>
      tpu.enqueue_dma source(%arg6 : memref<1664x32xf32, #tpu.memory_space<vmem>>) target(%dma_start3A_42 : memref<1664x32xf32, #tpu.memory_space<hbm>>) target_semaphore(%run_scoped3A : memref<!tpu.dma_semaphore, #tpu.memory_space<semaphore_mem>>)
      %dma_wait3A_43 = arith.constant 0 : i32
      %dma_wait3A_44 = tpu.memref_slice %arg4[%add3A_32, %dma_wait3A_43] : memref<212992x32xf32, #tpu.memory_space<hbm>> -> memref<1664x32xf32, #tpu.memory_space<hbm>>
      %dma_wait3A_45 = arith.constant 0 : i32
      %dma_wait3A_46 = tpu.memref_slice %arg4[%add3A_32, %dma_wait3A_45] : memref<212992x32xf32, #tpu.memory_space<hbm>> -> memref<1664x32xf32, #tpu.memory_space<hbm>>
      tpu.wait_dma2 semaphore(%run_scoped3A : memref<!tpu.dma_semaphore, #tpu.memory_space<semaphore_mem>>) src(%arg6 : memref<1664x32xf32, #tpu.memory_space<vmem>>) dst(%dma_wait3A_46 : memref<1664x32xf32, #tpu.memory_space<hbm>>)
      tpu.yield
    }) : () -> ()
    return
  }
}

#map = affine_map<(d0, d1) -> (0)>
#map1 = affine_map<(d0, d1) -> (0, 0)>
module attributes {stable_mosaic.version = 14 : i64} {
  func.func @k2(%arg0: i32, %arg1: i32, %arg2: memref<212992xi32, #tpu.memory_space<hbm>>, %arg3: memref<1300000x32xf32, #tpu.memory_space<hbm>>, %arg4: memref<212992x32xf32, #tpu.memory_space<hbm>>, %arg5: memref<1664xi32, #tpu.memory_space<vmem>>, %arg6: memref<1664x32xf32, #tpu.memory_space<vmem>>, %arg7: memref<!tpu.dma_semaphore, #tpu.memory_space<semaphore_mem>>) attributes {dimension_semantics = [#tpu.dimension_semantics<core_parallel>, #tpu.dimension_semantics<subcore_parallel>], iteration_bounds = array<i64: 2, 16>, scalar_prefetch = 0 : i64, scratch_operands = 3 : i64, tpu.core_type = #tpu.core_type<sc_vector_subcore>, window_params = [{transform_indices = #map}, {transform_indices = #map1}, {transform_indices = #map1}]} {
    %mul3A = arith.constant 2 : i32
    %mul3A_0 = arith.muli %arg1, %mul3A : i32
    %add3A = arith.addi %mul3A_0, %arg0 : i32
    %mul3A_1 = arith.constant 6656 : i32
    %mul3A_2 = arith.muli %add3A, %mul3A_1 : i32
    %add3A_3 = arith.constant 0 : i32
    %add3A_4 = arith.addi %mul3A_2, %add3A_3 : i32
    "tpu.region"() ({
      %run_scoped3A = tpu.sem_alloc : memref<!tpu.dma_semaphore, #tpu.memory_space<semaphore_mem>>
      %dma_start3A_39 = tpu.memref_slice %arg2[%add3A_4] : memref<212992xi32, #tpu.memory_space<hbm>> -> memref<1664xi32, #tpu.memory_space<hbm>>
      %dma_start3A_40 = tpu.memref_slice %arg2[%add3A_4] : memref<212992xi32, #tpu.memory_space<hbm>> -> memref<1664xi32, #tpu.memory_space<hbm>>
      tpu.enqueue_dma source(%dma_start3A_40 : memref<1664xi32, #tpu.memory_space<hbm>>) target(%arg5 : memref<1664xi32, #tpu.memory_space<vmem>>) target_semaphore(%run_scoped3A : memref<!tpu.dma_semaphore, #tpu.memory_space<semaphore_mem>>)
      %dma_wait3A_41 = tpu.memref_slice %arg2[%add3A_4] : memref<212992xi32, #tpu.memory_space<hbm>> -> memref<1664xi32, #tpu.memory_space<hbm>>
      %dma_wait3A_42 = tpu.memref_slice %arg2[%add3A_4] : memref<212992xi32, #tpu.memory_space<hbm>> -> memref<1664xi32, #tpu.memory_space<hbm>>
      tpu.wait_dma2 semaphore(%run_scoped3A : memref<!tpu.dma_semaphore, #tpu.memory_space<semaphore_mem>>) src(%dma_wait3A_42 : memref<1664xi32, #tpu.memory_space<hbm>>) dst(%arg5 : memref<1664xi32, #tpu.memory_space<vmem>>)
      tpu.yield
    }) : () -> ()
    %dma_start3A = arith.constant 0 : i32
    %dma_start3A_5 = arith.constant 0 : i32
    %dma_start3A_6 = tpu.memref_slice %arg3[%dma_start3A, %dma_start3A_5] : memref<1300000x32xf32, #tpu.memory_space<hbm>> -> memref<1300000x32xf32, #tpu.memory_space<hbm>>
    tpu.enqueue_indirect_dma source(%dma_start3A_6 : memref<1300000x32xf32, #tpu.memory_space<hbm>>) target(%arg6 : memref<1664x32xf32, #tpu.memory_space<vmem>>) offsets(%arg5 : memref<1664xi32, #tpu.memory_space<vmem>>) semaphore(%arg7 : memref<!tpu.dma_semaphore, #tpu.memory_space<semaphore_mem>>)
    %dma_wait3A = arith.constant 0 : i32
    %dma_wait3A_7 = arith.constant 0 : i32
    %dma_wait3A_8 = tpu.memref_slice %arg3[%dma_wait3A, %dma_wait3A_7] : memref<1300000x32xf32, #tpu.memory_space<hbm>> -> memref<1300000x32xf32, #tpu.memory_space<hbm>>
    tpu.wait_indirect_dma semaphore(%arg7 : memref<!tpu.dma_semaphore, #tpu.memory_space<semaphore_mem>>) src(%dma_wait3A_8 : memref<1300000x32xf32, #tpu.memory_space<hbm>>) dst(%arg6 : memref<1664x32xf32, #tpu.memory_space<vmem>>)
    "tpu.region"() ({
      %run_scoped3A = tpu.sem_alloc : memref<!tpu.dma_semaphore, #tpu.memory_space<semaphore_mem>>
      %dma_start3A_39 = arith.constant 0 : i32
      %dma_start3A_40 = tpu.memref_slice %arg4[%add3A_4, %dma_start3A_39] : memref<212992x32xf32, #tpu.memory_space<hbm>> -> memref<1664x32xf32, #tpu.memory_space<hbm>>
      %dma_start3A_41 = arith.constant 0 : i32
      %dma_start3A_42 = tpu.memref_slice %arg4[%add3A_4, %dma_start3A_41] : memref<212992x32xf32, #tpu.memory_space<hbm>> -> memref<1664x32xf32, #tpu.memory_space<hbm>>
      tpu.enqueue_dma source(%arg6 : memref<1664x32xf32, #tpu.memory_space<vmem>>) target(%dma_start3A_42 : memref<1664x32xf32, #tpu.memory_space<hbm>>) target_semaphore(%run_scoped3A : memref<!tpu.dma_semaphore, #tpu.memory_space<semaphore_mem>>)
      %dma_wait3A_43 = arith.constant 0 : i32
      %dma_wait3A_44 = tpu.memref_slice %arg4[%add3A_4, %dma_wait3A_43] : memref<212992x32xf32, #tpu.memory_space<hbm>> -> memref<1664x32xf32, #tpu.memory_space<hbm>>
      %dma_wait3A_45 = arith.constant 0 : i32
      %dma_wait3A_46 = tpu.memref_slice %arg4[%add3A_4, %dma_wait3A_45] : memref<212992x32xf32, #tpu.memory_space<hbm>> -> memref<1664x32xf32, #tpu.memory_space<hbm>>
      tpu.wait_dma2 semaphore(%run_scoped3A : memref<!tpu.dma_semaphore, #tpu.memory_space<semaphore_mem>>) src(%arg6 : memref<1664x32xf32, #tpu.memory_space<vmem>>) dst(%dma_wait3A_46 : memref<1664x32xf32, #tpu.memory_space<hbm>>)
      tpu.yield
    }) : () -> ()
    %mul3A_9 = arith.constant 6656 : i32
    %mul3A_10 = arith.muli %add3A, %mul3A_9 : i32
    %add3A_11 = arith.constant 1664 : i32
    %add3A_12 = arith.addi %mul3A_10, %add3A_11 : i32
    "tpu.region"() ({
      %run_scoped3A = tpu.sem_alloc : memref<!tpu.dma_semaphore, #tpu.memory_space<semaphore_mem>>
      %dma_start3A_39 = tpu.memref_slice %arg2[%add3A_12] : memref<212992xi32, #tpu.memory_space<hbm>> -> memref<1664xi32, #tpu.memory_space<hbm>>
      %dma_start3A_40 = tpu.memref_slice %arg2[%add3A_12] : memref<212992xi32, #tpu.memory_space<hbm>> -> memref<1664xi32, #tpu.memory_space<hbm>>
      tpu.enqueue_dma source(%dma_start3A_40 : memref<1664xi32, #tpu.memory_space<hbm>>) target(%arg5 : memref<1664xi32, #tpu.memory_space<vmem>>) target_semaphore(%run_scoped3A : memref<!tpu.dma_semaphore, #tpu.memory_space<semaphore_mem>>)
      %dma_wait3A_41 = tpu.memref_slice %arg2[%add3A_12] : memref<212992xi32, #tpu.memory_space<hbm>> -> memref<1664xi32, #tpu.memory_space<hbm>>
      %dma_wait3A_42 = tpu.memref_slice %arg2[%add3A_12] : memref<212992xi32, #tpu.memory_space<hbm>> -> memref<1664xi32, #tpu.memory_space<hbm>>
      tpu.wait_dma2 semaphore(%run_scoped3A : memref<!tpu.dma_semaphore, #tpu.memory_space<semaphore_mem>>) src(%dma_wait3A_42 : memref<1664xi32, #tpu.memory_space<hbm>>) dst(%arg5 : memref<1664xi32, #tpu.memory_space<vmem>>)
      tpu.yield
    }) : () -> ()
    %dma_start3A_13 = arith.constant 0 : i32
    %dma_start3A_14 = arith.constant 0 : i32
    %dma_start3A_15 = tpu.memref_slice %arg3[%dma_start3A_13, %dma_start3A_14] : memref<1300000x32xf32, #tpu.memory_space<hbm>> -> memref<1300000x32xf32, #tpu.memory_space<hbm>>
    tpu.enqueue_indirect_dma source(%dma_start3A_15 : memref<1300000x32xf32, #tpu.memory_space<hbm>>) target(%arg6 : memref<1664x32xf32, #tpu.memory_space<vmem>>) offsets(%arg5 : memref<1664xi32, #tpu.memory_space<vmem>>) semaphore(%arg7 : memref<!tpu.dma_semaphore, #tpu.memory_space<semaphore_mem>>)
    %dma_wait3A_16 = arith.constant 0 : i32
    %dma_wait3A_17 = arith.constant 0 : i32
    %dma_wait3A_18 = tpu.memref_slice %arg3[%dma_wait3A_16, %dma_wait3A_17] : memref<1300000x32xf32, #tpu.memory_space<hbm>> -> memref<1300000x32xf32, #tpu.memory_space<hbm>>
    tpu.wait_indirect_dma semaphore(%arg7 : memref<!tpu.dma_semaphore, #tpu.memory_space<semaphore_mem>>) src(%dma_wait3A_18 : memref<1300000x32xf32, #tpu.memory_space<hbm>>) dst(%arg6 : memref<1664x32xf32, #tpu.memory_space<vmem>>)
    "tpu.region"() ({
      %run_scoped3A = tpu.sem_alloc : memref<!tpu.dma_semaphore, #tpu.memory_space<semaphore_mem>>
      %dma_start3A_39 = arith.constant 0 : i32
      %dma_start3A_40 = tpu.memref_slice %arg4[%add3A_12, %dma_start3A_39] : memref<212992x32xf32, #tpu.memory_space<hbm>> -> memref<1664x32xf32, #tpu.memory_space<hbm>>
      %dma_start3A_41 = arith.constant 0 : i32
      %dma_start3A_42 = tpu.memref_slice %arg4[%add3A_12, %dma_start3A_41] : memref<212992x32xf32, #tpu.memory_space<hbm>> -> memref<1664x32xf32, #tpu.memory_space<hbm>>
      tpu.enqueue_dma source(%arg6 : memref<1664x32xf32, #tpu.memory_space<vmem>>) target(%dma_start3A_42 : memref<1664x32xf32, #tpu.memory_space<hbm>>) target_semaphore(%run_scoped3A : memref<!tpu.dma_semaphore, #tpu.memory_space<semaphore_mem>>)
      %dma_wait3A_43 = arith.constant 0 : i32
      %dma_wait3A_44 = tpu.memref_slice %arg4[%add3A_12, %dma_wait3A_43] : memref<212992x32xf32, #tpu.memory_space<hbm>> -> memref<1664x32xf32, #tpu.memory_space<hbm>>
      %dma_wait3A_45 = arith.constant 0 : i32
      %dma_wait3A_46 = tpu.memref_slice %arg4[%add3A_12, %dma_wait3A_45] : memref<212992x32xf32, #tpu.memory_space<hbm>> -> memref<1664x32xf32, #tpu.memory_space<hbm>>
      tpu.wait_dma2 semaphore(%run_scoped3A : memref<!tpu.dma_semaphore, #tpu.memory_space<semaphore_mem>>) src(%arg6 : memref<1664x32xf32, #tpu.memory_space<vmem>>) dst(%dma_wait3A_46 : memref<1664x32xf32, #tpu.memory_space<hbm>>)
      tpu.yield
    }) : () -> ()
    %mul3A_19 = arith.constant 6656 : i32
    %mul3A_20 = arith.muli %add3A, %mul3A_19 : i32
    %add3A_21 = arith.constant 3328 : i32
    %add3A_22 = arith.addi %mul3A_20, %add3A_21 : i32
    "tpu.region"() ({
      %run_scoped3A = tpu.sem_alloc : memref<!tpu.dma_semaphore, #tpu.memory_space<semaphore_mem>>
      %dma_start3A_39 = tpu.memref_slice %arg2[%add3A_22] : memref<212992xi32, #tpu.memory_space<hbm>> -> memref<1664xi32, #tpu.memory_space<hbm>>
      %dma_start3A_40 = tpu.memref_slice %arg2[%add3A_22] : memref<212992xi32, #tpu.memory_space<hbm>> -> memref<1664xi32, #tpu.memory_space<hbm>>
      tpu.enqueue_dma source(%dma_start3A_40 : memref<1664xi32, #tpu.memory_space<hbm>>) target(%arg5 : memref<1664xi32, #tpu.memory_space<vmem>>) target_semaphore(%run_scoped3A : memref<!tpu.dma_semaphore, #tpu.memory_space<semaphore_mem>>)
      %dma_wait3A_41 = tpu.memref_slice %arg2[%add3A_22] : memref<212992xi32, #tpu.memory_space<hbm>> -> memref<1664xi32, #tpu.memory_space<hbm>>
      %dma_wait3A_42 = tpu.memref_slice %arg2[%add3A_22] : memref<212992xi32, #tpu.memory_space<hbm>> -> memref<1664xi32, #tpu.memory_space<hbm>>
      tpu.wait_dma2 semaphore(%run_scoped3A : memref<!tpu.dma_semaphore, #tpu.memory_space<semaphore_mem>>) src(%dma_wait3A_42 : memref<1664xi32, #tpu.memory_space<hbm>>) dst(%arg5 : memref<1664xi32, #tpu.memory_space<vmem>>)
      tpu.yield
    }) : () -> ()
    %dma_start3A_23 = arith.constant 0 : i32
    %dma_start3A_24 = arith.constant 0 : i32
    %dma_start3A_25 = tpu.memref_slice %arg3[%dma_start3A_23, %dma_start3A_24] : memref<1300000x32xf32, #tpu.memory_space<hbm>> -> memref<1300000x32xf32, #tpu.memory_space<hbm>>
    tpu.enqueue_indirect_dma source(%dma_start3A_25 : memref<1300000x32xf32, #tpu.memory_space<hbm>>) target(%arg6 : memref<1664x32xf32, #tpu.memory_space<vmem>>) offsets(%arg5 : memref<1664xi32, #tpu.memory_space<vmem>>) semaphore(%arg7 : memref<!tpu.dma_semaphore, #tpu.memory_space<semaphore_mem>>)
    %dma_wait3A_26 = arith.constant 0 : i32
    %dma_wait3A_27 = arith.constant 0 : i32
    %dma_wait3A_28 = tpu.memref_slice %arg3[%dma_wait3A_26, %dma_wait3A_27] : memref<1300000x32xf32, #tpu.memory_space<hbm>> -> memref<1300000x32xf32, #tpu.memory_space<hbm>>
    tpu.wait_indirect_dma semaphore(%arg7 : memref<!tpu.dma_semaphore, #tpu.memory_space<semaphore_mem>>) src(%dma_wait3A_28 : memref<1300000x32xf32, #tpu.memory_space<hbm>>) dst(%arg6 : memref<1664x32xf32, #tpu.memory_space<vmem>>)
    "tpu.region"() ({
      %run_scoped3A = tpu.sem_alloc : memref<!tpu.dma_semaphore, #tpu.memory_space<semaphore_mem>>
      %dma_start3A_39 = arith.constant 0 : i32
      %dma_start3A_40 = tpu.memref_slice %arg4[%add3A_22, %dma_start3A_39] : memref<212992x32xf32, #tpu.memory_space<hbm>> -> memref<1664x32xf32, #tpu.memory_space<hbm>>
      %dma_start3A_41 = arith.constant 0 : i32
      %dma_start3A_42 = tpu.memref_slice %arg4[%add3A_22, %dma_start3A_41] : memref<212992x32xf32, #tpu.memory_space<hbm>> -> memref<1664x32xf32, #tpu.memory_space<hbm>>
      tpu.enqueue_dma source(%arg6 : memref<1664x32xf32, #tpu.memory_space<vmem>>) target(%dma_start3A_42 : memref<1664x32xf32, #tpu.memory_space<hbm>>) target_semaphore(%run_scoped3A : memref<!tpu.dma_semaphore, #tpu.memory_space<semaphore_mem>>)
      %dma_wait3A_43 = arith.constant 0 : i32
      %dma_wait3A_44 = tpu.memref_slice %arg4[%add3A_22, %dma_wait3A_43] : memref<212992x32xf32, #tpu.memory_space<hbm>> -> memref<1664x32xf32, #tpu.memory_space<hbm>>
      %dma_wait3A_45 = arith.constant 0 : i32
      %dma_wait3A_46 = tpu.memref_slice %arg4[%add3A_22, %dma_wait3A_45] : memref<212992x32xf32, #tpu.memory_space<hbm>> -> memref<1664x32xf32, #tpu.memory_space<hbm>>
      tpu.wait_dma2 semaphore(%run_scoped3A : memref<!tpu.dma_semaphore, #tpu.memory_space<semaphore_mem>>) src(%arg6 : memref<1664x32xf32, #tpu.memory_space<vmem>>) dst(%dma_wait3A_46 : memref<1664x32xf32, #tpu.memory_space<hbm>>)
      tpu.yield
    }) : () -> ()
    %mul3A_29 = arith.constant 6656 : i32
    %mul3A_30 = arith.muli %add3A, %mul3A_29 : i32
    %add3A_31 = arith.constant 4992 : i32
    %add3A_32 = arith.addi %mul3A_30, %add3A_31 : i32
    "tpu.region"() ({
      %run_scoped3A = tpu.sem_alloc : memref<!tpu.dma_semaphore, #tpu.memory_space<semaphore_mem>>
      %dma_start3A_39 = tpu.memref_slice %arg2[%add3A_32] : memref<212992xi32, #tpu.memory_space<hbm>> -> memref<1664xi32, #tpu.memory_space<hbm>>
      %dma_start3A_40 = tpu.memref_slice %arg2[%add3A_32] : memref<212992xi32, #tpu.memory_space<hbm>> -> memref<1664xi32, #tpu.memory_space<hbm>>
      tpu.enqueue_dma source(%dma_start3A_40 : memref<1664xi32, #tpu.memory_space<hbm>>) target(%arg5 : memref<1664xi32, #tpu.memory_space<vmem>>) target_semaphore(%run_scoped3A : memref<!tpu.dma_semaphore, #tpu.memory_space<semaphore_mem>>)
      %dma_wait3A_41 = tpu.memref_slice %arg2[%add3A_32] : memref<212992xi32, #tpu.memory_space<hbm>> -> memref<1664xi32, #tpu.memory_space<hbm>>
      %dma_wait3A_42 = tpu.memref_slice %arg2[%add3A_32] : memref<212992xi32, #tpu.memory_space<hbm>> -> memref<1664xi32, #tpu.memory_space<hbm>>
      tpu.wait_dma2 semaphore(%run_scoped3A : memref<!tpu.dma_semaphore, #tpu.memory_space<semaphore_mem>>) src(%dma_wait3A_42 : memref<1664xi32, #tpu.memory_space<hbm>>) dst(%arg5 : memref<1664xi32, #tpu.memory_space<vmem>>)
      tpu.yield
    }) : () -> ()
    %dma_start3A_33 = arith.constant 0 : i32
    %dma_start3A_34 = arith.constant 0 : i32
    %dma_start3A_35 = tpu.memref_slice %arg3[%dma_start3A_33, %dma_start3A_34] : memref<1300000x32xf32, #tpu.memory_space<hbm>> -> memref<1300000x32xf32, #tpu.memory_space<hbm>>
    tpu.enqueue_indirect_dma source(%dma_start3A_35 : memref<1300000x32xf32, #tpu.memory_space<hbm>>) target(%arg6 : memref<1664x32xf32, #tpu.memory_space<vmem>>) offsets(%arg5 : memref<1664xi32, #tpu.memory_space<vmem>>) semaphore(%arg7 : memref<!tpu.dma_semaphore, #tpu.memory_space<semaphore_mem>>)
    %dma_wait3A_36 = arith.constant 0 : i32
    %dma_wait3A_37 = arith.constant 0 : i32
    %dma_wait3A_38 = tpu.memref_slice %arg3[%dma_wait3A_36, %dma_wait3A_37] : memref<1300000x32xf32, #tpu.memory_space<hbm>> -> memref<1300000x32xf32, #tpu.memory_space<hbm>>
    tpu.wait_indirect_dma semaphore(%arg7 : memref<!tpu.dma_semaphore, #tpu.memory_space<semaphore_mem>>) src(%dma_wait3A_38 : memref<1300000x32xf32, #tpu.memory_space<hbm>>) dst(%arg6 : memref<1664x32xf32, #tpu.memory_space<vmem>>)
    "tpu.region"() ({
      %run_scoped3A = tpu.sem_alloc : memref<!tpu.dma_semaphore, #tpu.memory_space<semaphore_mem>>
      %dma_start3A_39 = arith.constant 0 : i32
      %dma_start3A_40 = tpu.memref_slice %arg4[%add3A_32, %dma_start3A_39] : memref<212992x32xf32, #tpu.memory_space<hbm>> -> memref<1664x32xf32, #tpu.memory_space<hbm>>
      %dma_start3A_41 = arith.constant 0 : i32
      %dma_start3A_42 = tpu.memref_slice %arg4[%add3A_32, %dma_start3A_41] : memref<212992x32xf32, #tpu.memory_space<hbm>> -> memref<1664x32xf32, #tpu.memory_space<hbm>>
      tpu.enqueue_dma source(%arg6 : memref<1664x32xf32, #tpu.memory_space<vmem>>) target(%dma_start3A_42 : memref<1664x32xf32, #tpu.memory_space<hbm>>) target_semaphore(%run_scoped3A : memref<!tpu.dma_semaphore, #tpu.memory_space<semaphore_mem>>)
      %dma_wait3A_43 = arith.constant 0 : i32
      %dma_wait3A_44 = tpu.memref_slice %arg4[%add3A_32, %dma_wait3A_43] : memref<212992x32xf32, #tpu.memory_space<hbm>> -> memref<1664x32xf32, #tpu.memory_space<hbm>>
      %dma_wait3A_45 = arith.constant 0 : i32
      %dma_wait3A_46 = tpu.memref_slice %arg4[%add3A_32, %dma_wait3A_45] : memref<212992x32xf32, #tpu.memory_space<hbm>> -> memref<1664x32xf32, #tpu.memory_space<hbm>>
      tpu.wait_dma2 semaphore(%run_scoped3A : memref<!tpu.dma_semaphore, #tpu.memory_space<semaphore_mem>>) src(%arg6 : memref<1664x32xf32, #tpu.memory_space<vmem>>) dst(%dma_wait3A_46 : memref<1664x32xf32, #tpu.memory_space<hbm>>)
      tpu.yield
    }) : () -> ()
    return
  }
}

module attributes {stable_mosaic.version = 14 : i64} {
  func.func @_k1_body(%arg0: i32, %arg1: i32, %arg2: memref<1x32x3200xf32, #tpu.memory_space<vmem>>, %arg3: memref<1x800x128xf32, #tpu.memory_space<vmem>>) attributes {dimension_semantics = [#tpu.dimension_semantics<arbitrary>, #tpu.dimension_semantics<arbitrary>], iteration_bounds = array<i64: 13, 32>, scalar_prefetch = 0 : i64, scratch_operands = 0 : i64, tpu.core_type = #tpu.core_type<tc>, window_params = [{transform_indices = @transform_0, window_bounds = array<i64: 1, 32, 3200>}, {transform_indices = @transform_1, window_bounds = array<i64: 1, 800, 128>}]} {
    %get3A = arith.constant 0 : index
    %get3A_0 = arith.constant 0 : index
    %get3A_1 = arith.constant 0 : index
    %get3A_2 = vector.load %arg2[%get3A, %get3A_0, %get3A_1] : memref<1x32x3200xf32, #tpu.memory_space<vmem>>, vector<1x32x3200xf32>
    %get3A_3 = vector.shape_cast %get3A_2 : vector<1x32x3200xf32> to vector<32x3200xf32>
    %transpose3A = tpu.transpose %get3A_3, [1, 0] : vector<32x3200xf32> -> vector<3200x32xf32>
    %reshape3A = vector.shape_cast %transpose3A : vector<3200x32xf32> to vector<800x4x32xf32>
    %slice3A = vector.extract_strided_slice %reshape3A {offsets = [0, 0, 0], sizes = [800, 1, 32], strides = [1, 1, 1]} : vector<800x4x32xf32> to vector<800x1x32xf32>
    %squeeze3A = vector.shape_cast %slice3A : vector<800x1x32xf32> to vector<800x32xf32>
    %swap3A = arith.constant 0 : index
    %swap3A_4 = arith.constant 0 : index
    %swap3A_5 = arith.constant 0 : index
    %swap3A_6 = vector.load %arg3[%swap3A, %swap3A_4, %swap3A_5] : memref<1x800x128xf32, #tpu.memory_space<vmem>>, vector<1x800x32xf32>
    %swap3A_7 = vector.shape_cast %swap3A_6 : vector<1x800x32xf32> to vector<800x32xf32>
    %swap3A_8 = vector.shape_cast %squeeze3A : vector<800x32xf32> to vector<1x800x32xf32>
    tpu.vector_store %arg3[%swap3A, %swap3A_4, %swap3A_5], %swap3A_8 {strides = array<i32>} : memref<1x800x128xf32, #tpu.memory_space<vmem>>, vector<1x800x32xf32>,
    %slice3A_9 = vector.extract_strided_slice %reshape3A {offsets = [0, 1, 0], sizes = [800, 1, 32], strides = [1, 1, 1]} : vector<800x4x32xf32> to vector<800x1x32xf32>
    %squeeze3A_10 = vector.shape_cast %slice3A_9 : vector<800x1x32xf32> to vector<800x32xf32>
    %swap3A_11 = arith.constant 0 : index
    %swap3A_12 = arith.constant 0 : index
    %swap3A_13 = arith.constant 32 : index
    %swap3A_14 = vector.load %arg3[%swap3A_11, %swap3A_12, %swap3A_13] : memref<1x800x128xf32, #tpu.memory_space<vmem>>, vector<1x800x32xf32>
    %swap3A_15 = vector.shape_cast %swap3A_14 : vector<1x800x32xf32> to vector<800x32xf32>
    %swap3A_16 = vector.shape_cast %squeeze3A_10 : vector<800x32xf32> to vector<1x800x32xf32>
    tpu.vector_store %arg3[%swap3A_11, %swap3A_12, %swap3A_13], %swap3A_16 {strides = array<i32>} : memref<1x800x128xf32, #tpu.memory_space<vmem>>, vector<1x800x32xf32>,
    %slice3A_17 = vector.extract_strided_slice %reshape3A {offsets = [0, 2, 0], sizes = [800, 1, 32], strides = [1, 1, 1]} : vector<800x4x32xf32> to vector<800x1x32xf32>
    %squeeze3A_18 = vector.shape_cast %slice3A_17 : vector<800x1x32xf32> to vector<800x32xf32>
    %swap3A_19 = arith.constant 0 : index
    %swap3A_20 = arith.constant 0 : index
    %swap3A_21 = arith.constant 64 : index
    %swap3A_22 = vector.load %arg3[%swap3A_19, %swap3A_20, %swap3A_21] : memref<1x800x128xf32, #tpu.memory_space<vmem>>, vector<1x800x32xf32>
    %swap3A_23 = vector.shape_cast %swap3A_22 : vector<1x800x32xf32> to vector<800x32xf32>
    %swap3A_24 = vector.shape_cast %squeeze3A_18 : vector<800x32xf32> to vector<1x800x32xf32>
    tpu.vector_store %arg3[%swap3A_19, %swap3A_20, %swap3A_21], %swap3A_24 {strides = array<i32>} : memref<1x800x128xf32, #tpu.memory_space<vmem>>, vector<1x800x32xf32>,
    %slice3A_25 = vector.extract_strided_slice %reshape3A {offsets = [0, 3, 0], sizes = [800, 1, 32], strides = [1, 1, 1]} : vector<800x4x32xf32> to vector<800x1x32xf32>
    %squeeze3A_26 = vector.shape_cast %slice3A_25 : vector<800x1x32xf32> to vector<800x32xf32>
    %swap3A_27 = arith.constant 0 : index
    %swap3A_28 = arith.constant 0 : index
    %swap3A_29 = arith.constant 96 : index
    %swap3A_30 = vector.load %arg3[%swap3A_27, %swap3A_28, %swap3A_29] : memref<1x800x128xf32, #tpu.memory_space<vmem>>, vector<1x800x32xf32>
    %swap3A_31 = vector.shape_cast %swap3A_30 : vector<1x800x32xf32> to vector<800x32xf32>
    %swap3A_32 = vector.shape_cast %squeeze3A_26 : vector<800x32xf32> to vector<1x800x32xf32>
    tpu.vector_store %arg3[%swap3A_27, %swap3A_28, %swap3A_29], %swap3A_32 {strides = array<i32>} : memref<1x800x128xf32, #tpu.memory_space<vmem>>, vector<1x800x32xf32>,
    return
  }
  func.func @transform_0(%arg0: i32, %arg1: i32) -> (i32, i32, i32) {
    %c0_i32 = arith.constant 0 : i32
    %c0_i32_0 = arith.constant 0 : i32
    return %arg0, %c0_i32, %arg1 : i32, i32, i32
  }
  func.func @transform_1(%arg0: i32, %arg1: i32) -> (i32, i32, i32) {
    %c0_i32 = arith.constant 0 : i32
    %c0_i32_0 = arith.constant 0 : i32
    return %arg0, %arg1, %c0_i32 : i32, i32, i32
  }
}

module attributes {stable_mosaic.version = 14 : i64} {
  func.func @_k3_body(%arg0: i32, %arg1: memref<13x512x128xf32, #tpu.memory_space<vmem>>, %arg2: memref<13x512x128xf32, #tpu.memory_space<vmem>>, %arg3: memref<1664x1024xbf16, #tpu.memory_space<vmem>>, %arg4: memref<1664x1024xbf16, #tpu.memory_space<vmem>>, %arg5: memref<1024x512xbf16, #tpu.memory_space<vmem>>, %arg6: memref<1024x512xbf16, #tpu.memory_space<vmem>>, %arg7: memref<1x1024xf32, #tpu.memory_space<vmem>>, %arg8: memref<1x1024xf32, #tpu.memory_space<vmem>>, %arg9: memref<1x512xf32, #tpu.memory_space<vmem>>, %arg10: memref<1x512xf32, #tpu.memory_space<vmem>>, %arg11: memref<512x4xf32, #tpu.memory_space<vmem>>, %arg12: memref<512x4xf32, #tpu.memory_space<vmem>>) attributes {dimension_semantics = [#tpu.dimension_semantics<arbitrary>], iteration_bounds = array<i64: 8>, scalar_prefetch = 0 : i64, scratch_operands = 0 : i64, tpu.core_type = #tpu.core_type<tc>, window_params = [{transform_indices = @transform_0, window_bounds = array<i64: 13, 512, 128>}, {transform_indices = @transform_1, window_bounds = array<i64: 13, 512, 128>}, {pipeline_mode = #tpu.pipeline_mode<synchronous>, transform_indices = @transform_2, window_bounds = array<i64: 1664, 1024>}, {pipeline_mode = #tpu.pipeline_mode<synchronous>, transform_indices = @transform_3, window_bounds = array<i64: 1664, 1024>}, {pipeline_mode = #tpu.pipeline_mode<synchronous>, transform_indices = @transform_4, window_bounds = array<i64: 1024, 512>}, {pipeline_mode = #tpu.pipeline_mode<synchronous>, transform_indices = @transform_5, window_bounds = array<i64: 1024, 512>}, {pipeline_mode = #tpu.pipeline_mode<synchronous>, transform_indices = @transform_6, window_bounds = array<i64: 1, 1024>}, {pipeline_mode = #tpu.pipeline_mode<synchronous>, transform_indices = @transform_7, window_bounds = array<i64: 1, 1024>}, {pipeline_mode = #tpu.pipeline_mode<synchronous>, transform_indices = @transform_8, window_bounds = array<i64: 1, 512>}, {pipeline_mode = #tpu.pipeline_mode<synchronous>, transform_indices = @transform_9, window_bounds = array<i64: 1, 512>}, {pipeline_mode = #tpu.pipeline_mode<synchronous>, transform_indices = @transform_10, window_bounds = array<i64: 512, 4>}, {transform_indices = @transform_11, window_bounds = array<i64: 512, 4>}]} {
    %get3A = arith.constant 0 : index
    %get3A_0 = arith.constant 0 : index
    %get3A_1 = arith.constant 0 : index
    %get3A_2 = vector.load %arg1[%get3A, %get3A_0, %get3A_1] : memref<13x512x128xf32, #tpu.memory_space<vmem>>, vector<1x512x128xf32>
    %get3A_3 = vector.shape_cast %get3A_2 : vector<1x512x128xf32> to vector<512x128xf32>
    %convert_element_type3A = arith.truncf %get3A_3 : vector<512x128xf32> to vector<512x128xbf16>
    %get3A_4 = arith.constant 1 : index
    %get3A_5 = arith.constant 0 : index
    %get3A_6 = arith.constant 0 : index
    %get3A_7 = vector.load %arg1[%get3A_4, %get3A_5, %get3A_6] : memref<13x512x128xf32, #tpu.memory_space<vmem>>, vector<1x512x128xf32>
    %get3A_8 = vector.shape_cast %get3A_7 : vector<1x512x128xf32> to vector<512x128xf32>
    %convert_element_type3A_9 = arith.truncf %get3A_8 : vector<512x128xf32> to vector<512x128xbf16>
    %get3A_10 = arith.constant 2 : index
    %get3A_11 = arith.constant 0 : index
    %get3A_12 = arith.constant 0 : index
    %get3A_13 = vector.load %arg1[%get3A_10, %get3A_11, %get3A_12] : memref<13x512x128xf32, #tpu.memory_space<vmem>>, vector<1x512x128xf32>
    %get3A_14 = vector.shape_cast %get3A_13 : vector<1x512x128xf32> to vector<512x128xf32>
    %convert_element_type3A_15 = arith.truncf %get3A_14 : vector<512x128xf32> to vector<512x128xbf16>
    %get3A_16 = arith.constant 3 : index
    %get3A_17 = arith.constant 0 : index
    %get3A_18 = arith.constant 0 : index
    %get3A_19 = vector.load %arg1[%get3A_16, %get3A_17, %get3A_18] : memref<13x512x128xf32, #tpu.memory_space<vmem>>, vector<1x512x128xf32>
    %get3A_20 = vector.shape_cast %get3A_19 : vector<1x512x128xf32> to vector<512x128xf32>
    %convert_element_type3A_21 = arith.truncf %get3A_20 : vector<512x128xf32> to vector<512x128xbf16>
    %get3A_22 = arith.constant 4 : index
    %get3A_23 = arith.constant 0 : index
    %get3A_24 = arith.constant 0 : index
    %get3A_25 = vector.load %arg1[%get3A_22, %get3A_23, %get3A_24] : memref<13x512x128xf32, #tpu.memory_space<vmem>>, vector<1x512x128xf32>
    %get3A_26 = vector.shape_cast %get3A_25 : vector<1x512x128xf32> to vector<512x128xf32>
    %convert_element_type3A_27 = arith.truncf %get3A_26 : vector<512x128xf32> to vector<512x128xbf16>
    %get3A_28 = arith.constant 5 : index
    %get3A_29 = arith.constant 0 : index
    %get3A_30 = arith.constant 0 : index
    %get3A_31 = vector.load %arg1[%get3A_28, %get3A_29, %get3A_30] : memref<13x512x128xf32, #tpu.memory_space<vmem>>, vector<1x512x128xf32>
    %get3A_32 = vector.shape_cast %get3A_31 : vector<1x512x128xf32> to vector<512x128xf32>
    %convert_element_type3A_33 = arith.truncf %get3A_32 : vector<512x128xf32> to vector<512x128xbf16>
    %get3A_34 = arith.constant 6 : index
    %get3A_35 = arith.constant 0 : index
    %get3A_36 = arith.constant 0 : index
    %get3A_37 = vector.load %arg1[%get3A_34, %get3A_35, %get3A_36] : memref<13x512x128xf32, #tpu.memory_space<vmem>>, vector<1x512x128xf32>
    %get3A_38 = vector.shape_cast %get3A_37 : vector<1x512x128xf32> to vector<512x128xf32>
    %convert_element_type3A_39 = arith.truncf %get3A_38 : vector<512x128xf32> to vector<512x128xbf16>
    %get3A_40 = arith.constant 7 : index
    %get3A_41 = arith.constant 0 : index
    %get3A_42 = arith.constant 0 : index
    %get3A_43 = vector.load %arg1[%get3A_40, %get3A_41, %get3A_42] : memref<13x512x128xf32, #tpu.memory_space<vmem>>, vector<1x512x128xf32>
    %get3A_44 = vector.shape_cast %get3A_43 : vector<1x512x128xf32> to vector<512x128xf32>
    %convert_element_type3A_45 = arith.truncf %get3A_44 : vector<512x128xf32> to vector<512x128xbf16>
    %get3A_46 = arith.constant 8 : index
    %get3A_47 = arith.constant 0 : index
    %get3A_48 = arith.constant 0 : index
    %get3A_49 = vector.load %arg1[%get3A_46, %get3A_47, %get3A_48] : memref<13x512x128xf32, #tpu.memory_space<vmem>>, vector<1x512x128xf32>
    %get3A_50 = vector.shape_cast %get3A_49 : vector<1x512x128xf32> to vector<512x128xf32>
    %convert_element_type3A_51 = arith.truncf %get3A_50 : vector<512x128xf32> to vector<512x128xbf16>
    %get3A_52 = arith.constant 9 : index
    %get3A_53 = arith.constant 0 : index
    %get3A_54 = arith.constant 0 : index
    %get3A_55 = vector.load %arg1[%get3A_52, %get3A_53, %get3A_54] : memref<13x512x128xf32, #tpu.memory_space<vmem>>, vector<1x512x128xf32>
    %get3A_56 = vector.shape_cast %get3A_55 : vector<1x512x128xf32> to vector<512x128xf32>
    %convert_element_type3A_57 = arith.truncf %get3A_56 : vector<512x128xf32> to vector<512x128xbf16>
    %get3A_58 = arith.constant 10 : index
    %get3A_59 = arith.constant 0 : index
    %get3A_60 = arith.constant 0 : index
    %get3A_61 = vector.load %arg1[%get3A_58, %get3A_59, %get3A_60] : memref<13x512x128xf32, #tpu.memory_space<vmem>>, vector<1x512x128xf32>
    %get3A_62 = vector.shape_cast %get3A_61 : vector<1x512x128xf32> to vector<512x128xf32>
    %convert_element_type3A_63 = arith.truncf %get3A_62 : vector<512x128xf32> to vector<512x128xbf16>
    %get3A_64 = arith.constant 11 : index
    %get3A_65 = arith.constant 0 : index
    %get3A_66 = arith.constant 0 : index
    %get3A_67 = vector.load %arg1[%get3A_64, %get3A_65, %get3A_66] : memref<13x512x128xf32, #tpu.memory_space<vmem>>, vector<1x512x128xf32>
    %get3A_68 = vector.shape_cast %get3A_67 : vector<1x512x128xf32> to vector<512x128xf32>
    %convert_element_type3A_69 = arith.truncf %get3A_68 : vector<512x128xf32> to vector<512x128xbf16>
    %get3A_70 = arith.constant 12 : index
    %get3A_71 = arith.constant 0 : index
    %get3A_72 = arith.constant 0 : index
    %get3A_73 = vector.load %arg1[%get3A_70, %get3A_71, %get3A_72] : memref<13x512x128xf32, #tpu.memory_space<vmem>>, vector<1x512x128xf32>
    %get3A_74 = vector.shape_cast %get3A_73 : vector<1x512x128xf32> to vector<512x128xf32>
    %convert_element_type3A_75 = arith.truncf %get3A_74 : vector<512x128xf32> to vector<512x128xbf16>
    %concatenate3A = tpu.concatenate %convert_element_type3A, %convert_element_type3A_9, %convert_element_type3A_15, %convert_element_type3A_21, %convert_element_type3A_27, %convert_element_type3A_33, %convert_element_type3A_39, %convert_element_type3A_45, %convert_element_type3A_51, %convert_element_type3A_57, %convert_element_type3A_63, %convert_element_type3A_69, %convert_element_type3A_75 in 1 : vector<512x128xbf16>, vector<512x128xbf16>, vector<512x128xbf16>, vector<512x128xbf16>, vector<512x128xbf16>, vector<512x128xbf16>, vector<512x128xbf16>, vector<512x128xbf16>, vector<512x128xbf16>, vector<512x128xbf16>, vector<512x128xbf16>, vector<512x128xbf16>, vector<512x128xbf16> -> vector<512x1664xbf16>
    %get3A_76 = arith.constant 0 : index
    %get3A_77 = arith.constant 0 : index
    %get3A_78 = arith.constant 0 : index
    %get3A_79 = vector.load %arg2[%get3A_76, %get3A_77, %get3A_78] : memref<13x512x128xf32, #tpu.memory_space<vmem>>, vector<1x512x128xf32>
    %get3A_80 = vector.shape_cast %get3A_79 : vector<1x512x128xf32> to vector<512x128xf32>
    %convert_element_type3A_81 = arith.truncf %get3A_80 : vector<512x128xf32> to vector<512x128xbf16>
    %get3A_82 = arith.constant 1 : index
    %get3A_83 = arith.constant 0 : index
    %get3A_84 = arith.constant 0 : index
    %get3A_85 = vector.load %arg2[%get3A_82, %get3A_83, %get3A_84] : memref<13x512x128xf32, #tpu.memory_space<vmem>>, vector<1x512x128xf32>
    %get3A_86 = vector.shape_cast %get3A_85 : vector<1x512x128xf32> to vector<512x128xf32>
    %convert_element_type3A_87 = arith.truncf %get3A_86 : vector<512x128xf32> to vector<512x128xbf16>
    %get3A_88 = arith.constant 2 : index
    %get3A_89 = arith.constant 0 : index
    %get3A_90 = arith.constant 0 : index
    %get3A_91 = vector.load %arg2[%get3A_88, %get3A_89, %get3A_90] : memref<13x512x128xf32, #tpu.memory_space<vmem>>, vector<1x512x128xf32>
    %get3A_92 = vector.shape_cast %get3A_91 : vector<1x512x128xf32> to vector<512x128xf32>
    %convert_element_type3A_93 = arith.truncf %get3A_92 : vector<512x128xf32> to vector<512x128xbf16>
    %get3A_94 = arith.constant 3 : index
    %get3A_95 = arith.constant 0 : index
    %get3A_96 = arith.constant 0 : index
    %get3A_97 = vector.load %arg2[%get3A_94, %get3A_95, %get3A_96] : memref<13x512x128xf32, #tpu.memory_space<vmem>>, vector<1x512x128xf32>
    %get3A_98 = vector.shape_cast %get3A_97 : vector<1x512x128xf32> to vector<512x128xf32>
    %convert_element_type3A_99 = arith.truncf %get3A_98 : vector<512x128xf32> to vector<512x128xbf16>
    %get3A_100 = arith.constant 4 : index
    %get3A_101 = arith.constant 0 : index
    %get3A_102 = arith.constant 0 : index
    %get3A_103 = vector.load %arg2[%get3A_100, %get3A_101, %get3A_102] : memref<13x512x128xf32, #tpu.memory_space<vmem>>, vector<1x512x128xf32>
    %get3A_104 = vector.shape_cast %get3A_103 : vector<1x512x128xf32> to vector<512x128xf32>
    %convert_element_type3A_105 = arith.truncf %get3A_104 : vector<512x128xf32> to vector<512x128xbf16>
    %get3A_106 = arith.constant 5 : index
    %get3A_107 = arith.constant 0 : index
    %get3A_108 = arith.constant 0 : index
    %get3A_109 = vector.load %arg2[%get3A_106, %get3A_107, %get3A_108] : memref<13x512x128xf32, #tpu.memory_space<vmem>>, vector<1x512x128xf32>
    %get3A_110 = vector.shape_cast %get3A_109 : vector<1x512x128xf32> to vector<512x128xf32>
    %convert_element_type3A_111 = arith.truncf %get3A_110 : vector<512x128xf32> to vector<512x128xbf16>
    %get3A_112 = arith.constant 6 : index
    %get3A_113 = arith.constant 0 : index
    %get3A_114 = arith.constant 0 : index
    %get3A_115 = vector.load %arg2[%get3A_112, %get3A_113, %get3A_114] : memref<13x512x128xf32, #tpu.memory_space<vmem>>, vector<1x512x128xf32>
    %get3A_116 = vector.shape_cast %get3A_115 : vector<1x512x128xf32> to vector<512x128xf32>
    %convert_element_type3A_117 = arith.truncf %get3A_116 : vector<512x128xf32> to vector<512x128xbf16>
    %get3A_118 = arith.constant 7 : index
    %get3A_119 = arith.constant 0 : index
    %get3A_120 = arith.constant 0 : index
    %get3A_121 = vector.load %arg2[%get3A_118, %get3A_119, %get3A_120] : memref<13x512x128xf32, #tpu.memory_space<vmem>>, vector<1x512x128xf32>
    %get3A_122 = vector.shape_cast %get3A_121 : vector<1x512x128xf32> to vector<512x128xf32>
    %convert_element_type3A_123 = arith.truncf %get3A_122 : vector<512x128xf32> to vector<512x128xbf16>
    %get3A_124 = arith.constant 8 : index
    %get3A_125 = arith.constant 0 : index
    %get3A_126 = arith.constant 0 : index
    %get3A_127 = vector.load %arg2[%get3A_124, %get3A_125, %get3A_126] : memref<13x512x128xf32, #tpu.memory_space<vmem>>, vector<1x512x128xf32>
    %get3A_128 = vector.shape_cast %get3A_127 : vector<1x512x128xf32> to vector<512x128xf32>
    %convert_element_type3A_129 = arith.truncf %get3A_128 : vector<512x128xf32> to vector<512x128xbf16>
    %get3A_130 = arith.constant 9 : index
    %get3A_131 = arith.constant 0 : index
    %get3A_132 = arith.constant 0 : index
    %get3A_133 = vector.load %arg2[%get3A_130, %get3A_131, %get3A_132] : memref<13x512x128xf32, #tpu.memory_space<vmem>>, vector<1x512x128xf32>
    %get3A_134 = vector.shape_cast %get3A_133 : vector<1x512x128xf32> to vector<512x128xf32>
    %convert_element_type3A_135 = arith.truncf %get3A_134 : vector<512x128xf32> to vector<512x128xbf16>
    %get3A_136 = arith.constant 10 : index
    %get3A_137 = arith.constant 0 : index
    %get3A_138 = arith.constant 0 : index
    %get3A_139 = vector.load %arg2[%get3A_136, %get3A_137, %get3A_138] : memref<13x512x128xf32, #tpu.memory_space<vmem>>, vector<1x512x128xf32>
    %get3A_140 = vector.shape_cast %get3A_139 : vector<1x512x128xf32> to vector<512x128xf32>
    %convert_element_type3A_141 = arith.truncf %get3A_140 : vector<512x128xf32> to vector<512x128xbf16>
    %get3A_142 = arith.constant 11 : index
    %get3A_143 = arith.constant 0 : index
    %get3A_144 = arith.constant 0 : index
    %get3A_145 = vector.load %arg2[%get3A_142, %get3A_143, %get3A_144] : memref<13x512x128xf32, #tpu.memory_space<vmem>>, vector<1x512x128xf32>
    %get3A_146 = vector.shape_cast %get3A_145 : vector<1x512x128xf32> to vector<512x128xf32>
    %convert_element_type3A_147 = arith.truncf %get3A_146 : vector<512x128xf32> to vector<512x128xbf16>
    %get3A_148 = arith.constant 12 : index
    %get3A_149 = arith.constant 0 : index
    %get3A_150 = arith.constant 0 : index
    %get3A_151 = vector.load %arg2[%get3A_148, %get3A_149, %get3A_150] : memref<13x512x128xf32, #tpu.memory_space<vmem>>, vector<1x512x128xf32>
    %get3A_152 = vector.shape_cast %get3A_151 : vector<1x512x128xf32> to vector<512x128xf32>
    %convert_element_type3A_153 = arith.truncf %get3A_152 : vector<512x128xf32> to vector<512x128xbf16>
    %concatenate3A_154 = tpu.concatenate %convert_element_type3A_81, %convert_element_type3A_87, %convert_element_type3A_93, %convert_element_type3A_99, %convert_element_type3A_105, %convert_element_type3A_111, %convert_element_type3A_117, %convert_element_type3A_123, %convert_element_type3A_129, %convert_element_type3A_135, %convert_element_type3A_141, %convert_element_type3A_147, %convert_element_type3A_153 in 1 : vector<512x128xbf16>, vector<512x128xbf16>, vector<512x128xbf16>, vector<512x128xbf16>, vector<512x128xbf16>, vector<512x128xbf16>, vector<512x128xbf16>, vector<512x128xbf16>, vector<512x128xbf16>, vector<512x128xbf16>, vector<512x128xbf16>, vector<512x128xbf16>, vector<512x128xbf16> -> vector<512x1664xbf16>
    %get3A_155 = arith.constant 0 : index
    %get3A_156 = arith.constant 0 : index
    %get3A_157 = vector.load %arg3[%get3A_155, %get3A_156] : memref<1664x1024xbf16, #tpu.memory_space<vmem>>, vector<1664x1024xbf16>
    %dot_general3A = arith.constant dense<0.000000e+00> : vector<512x1024xf32>
    %dot_general3A_158 = tpu.matmul %concatenate3A, %get3A_157, %dot_general3A {dimension_numbers = #tpu.dot_dimension_numbers<[1], [0], [0], [1], [0, 0, 1, 1], [], []>, transpose_lhs_hint = false} : vector<512x1664xbf16>, vector<1664x1024xbf16>, vector<512x1024xf32> -> vector<512x1024xf32>
    %get3A_159 = arith.constant 0 : index
    %get3A_160 = arith.constant 0 : index
    %get3A_161 = vector.load %arg7[%get3A_159, %get3A_160] : memref<1x1024xf32, #tpu.memory_space<vmem>>, vector<1x1024xf32>
    %add3A = vector.broadcast %get3A_161 : vector<1x1024xf32> to vector<512x1024xf32>
    %add3A_162 = arith.addf %dot_general3A_158, %add3A : vector<512x1024xf32>
    %max3A = arith.constant 0.000000e+00 : f32
    %max3A_163 = vector.broadcast %max3A : f32 to vector<512x1024xf32>
    %max3A_164 = arith.maximumf %add3A_162, %max3A_163 : vector<512x1024xf32>
    %convert_element_type3A_165 = arith.truncf %max3A_164 : vector<512x1024xf32> to vector<512x1024xbf16>
    %get3A_166 = arith.constant 0 : index
    %get3A_167 = arith.constant 0 : index
    %get3A_168 = vector.load %arg4[%get3A_166, %get3A_167] : memref<1664x1024xbf16, #tpu.memory_space<vmem>>, vector<1664x1024xbf16>
    %dot_general3A_169 = arith.constant dense<0.000000e+00> : vector<512x1024xf32>
    %dot_general3A_170 = tpu.matmul %concatenate3A_154, %get3A_168, %dot_general3A_169 {dimension_numbers = #tpu.dot_dimension_numbers<[1], [0], [0], [1], [0, 0, 1, 1], [], []>, transpose_lhs_hint = false} : vector<512x1664xbf16>, vector<1664x1024xbf16>, vector<512x1024xf32> -> vector<512x1024xf32>
    %get3A_171 = arith.constant 0 : index
    %get3A_172 = arith.constant 0 : index
    %get3A_173 = vector.load %arg8[%get3A_171, %get3A_172] : memref<1x1024xf32, #tpu.memory_space<vmem>>, vector<1x1024xf32>
    %add3A_174 = vector.broadcast %get3A_173 : vector<1x1024xf32> to vector<512x1024xf32>
    %add3A_175 = arith.addf %dot_general3A_170, %add3A_174 : vector<512x1024xf32>
    %max3A_176 = arith.constant 0.000000e+00 : f32
    %max3A_177 = vector.broadcast %max3A_176 : f32 to vector<512x1024xf32>
    %max3A_178 = arith.maximumf %add3A_175, %max3A_177 : vector<512x1024xf32>
    %convert_element_type3A_179 = arith.truncf %max3A_178 : vector<512x1024xf32> to vector<512x1024xbf16>
    %get3A_180 = arith.constant 0 : index
    %get3A_181 = arith.constant 0 : index
    %get3A_182 = vector.load %arg5[%get3A_180, %get3A_181] : memref<1024x512xbf16, #tpu.memory_space<vmem>>, vector<1024x512xbf16>
    %dot_general3A_183 = arith.constant dense<0.000000e+00> : vector<512x512xf32>
    %dot_general3A_184 = tpu.matmul %convert_element_type3A_165, %get3A_182, %dot_general3A_183 {dimension_numbers = #tpu.dot_dimension_numbers<[1], [0], [0], [1], [0, 0, 1, 1], [], []>, transpose_lhs_hint = false} : vector<512x1024xbf16>, vector<1024x512xbf16>, vector<512x512xf32> -> vector<512x512xf32>
    %get3A_185 = arith.constant 0 : index
    %get3A_186 = arith.constant 0 : index
    %get3A_187 = vector.load %arg9[%get3A_185, %get3A_186] : memref<1x512xf32, #tpu.memory_space<vmem>>, vector<1x512xf32>
    %add3A_188 = vector.broadcast %get3A_187 : vector<1x512xf32> to vector<512x512xf32>
    %add3A_189 = arith.addf %dot_general3A_184, %add3A_188 : vector<512x512xf32>
    %max3A_190 = arith.constant 0.000000e+00 : f32
    %max3A_191 = vector.broadcast %max3A_190 : f32 to vector<512x512xf32>
    %max3A_192 = arith.maximumf %add3A_189, %max3A_191 : vector<512x512xf32>
    %get3A_193 = arith.constant 0 : index
    %get3A_194 = arith.constant 0 : index
    %get3A_195 = vector.load %arg6[%get3A_193, %get3A_194] : memref<1024x512xbf16, #tpu.memory_space<vmem>>, vector<1024x512xbf16>
    %dot_general3A_196 = arith.constant dense<0.000000e+00> : vector<512x512xf32>
    %dot_general3A_197 = tpu.matmul %convert_element_type3A_179, %get3A_195, %dot_general3A_196 {dimension_numbers = #tpu.dot_dimension_numbers<[1], [0], [0], [1], [0, 0, 1, 1], [], []>, transpose_lhs_hint = false} : vector<512x1024xbf16>, vector<1024x512xbf16>, vector<512x512xf32> -> vector<512x512xf32>
    %get3A_198 = arith.constant 0 : index
    %get3A_199 = arith.constant 0 : index
    %get3A_200 = vector.load %arg10[%get3A_198, %get3A_199] : memref<1x512xf32, #tpu.memory_space<vmem>>, vector<1x512xf32>
    %add3A_201 = vector.broadcast %get3A_200 : vector<1x512xf32> to vector<512x512xf32>
    %add3A_202 = arith.addf %dot_general3A_197, %add3A_201 : vector<512x512xf32>
    %max3A_203 = arith.constant 0.000000e+00 : f32
    %max3A_204 = vector.broadcast %max3A_203 : f32 to vector<512x512xf32>
    %max3A_205 = arith.maximumf %add3A_202, %max3A_204 : vector<512x512xf32>
    %get3A_206 = arith.constant 0 : index
    %get3A_207 = arith.constant 0 : index
    %get3A_208 = vector.load %arg11[%get3A_206, %get3A_207] : memref<512x4xf32, #tpu.memory_space<vmem>>, vector<512x4xf32>
    %mul3A = arith.mulf %max3A_192, %max3A_205 : vector<512x512xf32>
    %dot_general3A_209 = arith.constant dense<0.000000e+00> : vector<512x4xf32>
    %dot_general3A_210 = tpu.matmul %mul3A, %get3A_208, %dot_general3A_209 {dimension_numbers = #tpu.dot_dimension_numbers<[1], [0], [0], [1], [0, 0, 1, 1], [], []>, transpose_lhs_hint = false} : vector<512x512xf32>, vector<512x4xf32>, vector<512x4xf32> -> vector<512x4xf32>
    %mul3A_211 = arith.mulf %max3A_192, %max3A_192 : vector<512x512xf32>
    %dot_general3A_212 = arith.constant dense<0.000000e+00> : vector<512x4xf32>
    %dot_general3A_213 = tpu.matmul %mul3A_211, %get3A_208, %dot_general3A_212 {dimension_numbers = #tpu.dot_dimension_numbers<[1], [0], [0], [1], [0, 0, 1, 1], [], []>, transpose_lhs_hint = false} : vector<512x512xf32>, vector<512x4xf32>, vector<512x4xf32> -> vector<512x4xf32>
    %mul3A_214 = arith.mulf %max3A_205, %max3A_205 : vector<512x512xf32>
    %dot_general3A_215 = arith.constant dense<0.000000e+00> : vector<512x4xf32>
    %dot_general3A_216 = tpu.matmul %mul3A_214, %get3A_208, %dot_general3A_215 {dimension_numbers = #tpu.dot_dimension_numbers<[1], [0], [0], [1], [0, 0, 1, 1], [], []>, transpose_lhs_hint = false} : vector<512x512xf32>, vector<512x4xf32>, vector<512x4xf32> -> vector<512x4xf32>
    %sqrt3A = math.sqrt %dot_general3A_213 : vector<512x4xf32>
    %max3A_217 = arith.constant 9.99999996E-13 : f32
    %max3A_218 = vector.broadcast %max3A_217 : f32 to vector<512x4xf32>
    %max3A_219 = arith.maximumf %sqrt3A, %max3A_218 : vector<512x4xf32>
    %sqrt3A_220 = math.sqrt %dot_general3A_216 : vector<512x4xf32>
    %max3A_221 = arith.constant 9.99999996E-13 : f32
    %max3A_222 = vector.broadcast %max3A_221 : f32 to vector<512x4xf32>
    %max3A_223 = arith.maximumf %sqrt3A_220, %max3A_222 : vector<512x4xf32>
    %mul3A_224 = arith.mulf %max3A_219, %max3A_223 : vector<512x4xf32>
    %div3A = arith.divf %dot_general3A_210, %mul3A_224 : vector<512x4xf32>
    %logistic3A = arith.negf %div3A : vector<512x4xf32>
    %logistic3A_225 = math.exp %logistic3A : vector<512x4xf32>
    %logistic3A_226 = arith.constant 1.000000e+00 : f32
    %logistic3A_227 = vector.broadcast %logistic3A_226 : f32 to vector<512x4xf32>
    %logistic3A_228 = arith.addf %logistic3A_227, %logistic3A_225 : vector<512x4xf32>
    %logistic3A_229 = arith.divf %logistic3A_227, %logistic3A_228 : vector<512x4xf32>
    %swap3A = arith.constant 0 : index
    %swap3A_230 = arith.constant 0 : index
    %swap3A_231 = vector.load %arg12[%swap3A, %swap3A_230] : memref<512x4xf32, #tpu.memory_space<vmem>>, vector<512x4xf32>
    tpu.vector_store %arg12[%swap3A, %swap3A_230], %logistic3A_229 {strides = array<i32>} : memref<512x4xf32, #tpu.memory_space<vmem>>, vector<512x4xf32>,
    return
  }
  func.func @transform_0(%arg0: i32) -> (i32, i32, i32) {
    %c0_i32 = arith.constant 0 : i32
    %c0_i32_0 = arith.constant 0 : i32
    %c0_i32_1 = arith.constant 0 : i32
    return %c0_i32, %arg0, %c0_i32_0 : i32, i32, i32
  }
  func.func @transform_1(%arg0: i32) -> (i32, i32, i32) {
    %c0_i32 = arith.constant 0 : i32
    %c0_i32_0 = arith.constant 0 : i32
    %c0_i32_1 = arith.constant 0 : i32
    return %c0_i32, %arg0, %c0_i32_0 : i32, i32, i32
  }
  func.func @transform_2(%arg0: i32) -> (i32, i32) {
    %c0_i32 = arith.constant 0 : i32
    %c0_i32_0 = arith.constant 0 : i32
    %c0_i32_1 = arith.constant 0 : i32
    return %c0_i32, %c0_i32_0 : i32, i32
  }
  func.func @transform_3(%arg0: i32) -> (i32, i32) {
    %c0_i32 = arith.constant 0 : i32
    %c0_i32_0 = arith.constant 0 : i32
    %c0_i32_1 = arith.constant 0 : i32
    return %c0_i32, %c0_i32_0 : i32, i32
  }
  func.func @transform_4(%arg0: i32) -> (i32, i32) {
    %c0_i32 = arith.constant 0 : i32
    %c0_i32_0 = arith.constant 0 : i32
    %c0_i32_1 = arith.constant 0 : i32
    return %c0_i32, %c0_i32_0 : i32, i32
  }
  func.func @transform_5(%arg0: i32) -> (i32, i32) {
    %c0_i32 = arith.constant 0 : i32
    %c0_i32_0 = arith.constant 0 : i32
    %c0_i32_1 = arith.constant 0 : i32
    return %c0_i32, %c0_i32_0 : i32, i32
  }
  func.func @transform_6(%arg0: i32) -> (i32, i32) {
    %c0_i32 = arith.constant 0 : i32
    %c0_i32_0 = arith.constant 0 : i32
    %c0_i32_1 = arith.constant 0 : i32
    return %c0_i32, %c0_i32_0 : i32, i32
  }
  func.func @transform_7(%arg0: i32) -> (i32, i32) {
    %c0_i32 = arith.constant 0 : i32
    %c0_i32_0 = arith.constant 0 : i32
    %c0_i32_1 = arith.constant 0 : i32
    return %c0_i32, %c0_i32_0 : i32, i32
  }
  func.func @transform_8(%arg0: i32) -> (i32, i32) {
    %c0_i32 = arith.constant 0 : i32
    %c0_i32_0 = arith.constant 0 : i32
    %c0_i32_1 = arith.constant 0 : i32
    return %c0_i32, %c0_i32_0 : i32, i32
  }
  func.func @transform_9(%arg0: i32) -> (i32, i32) {
    %c0_i32 = arith.constant 0 : i32
    %c0_i32_0 = arith.constant 0 : i32
    %c0_i32_1 = arith.constant 0 : i32
    return %c0_i32, %c0_i32_0 : i32, i32
  }
  func.func @transform_10(%arg0: i32) -> (i32, i32) {
    %c0_i32 = arith.constant 0 : i32
    %c0_i32_0 = arith.constant 0 : i32
    %c0_i32_1 = arith.constant 0 : i32
    return %c0_i32, %c0_i32_0 : i32, i32
  }
  func.func @transform_11(%arg0: i32) -> (i32, i32) {
    %c0_i32 = arith.constant 0 : i32
    %c0_i32_0 = arith.constant 0 : i32
    return %arg0, %c0_i32 : i32, i32
  }
}

</mosaic_0001>

<sc_bundles>
// kernel: kernel.10.cloned.1.call-start
scs
__scs_entry_jumppad:
0x0: {  	(pc) =	sbr.rel $0x88, $3  }
0x1: {  	(tag) =	ssettag $0x0;
	lr =	simm.s32 $0x1  }
0x2: {  	[smem:$0x3F95] =	sst lr;
	_ =	strace $0xD0000000  }
0x3: {  	_ = 	snop  }
0x4: {  	_ = 	snop  }
0x5: {  	_ = 	snop  }
0x6: {  	_ = 	snop  }
0x7: {  	_ = 	snop  }
__scs_overlays_trampoline_lowered:
0x8: {  	[smem:$0x3FA4] =	sst s0  }
0x9: {  	[smem:$0x3FA5] =	sst s1  }
0xa: {  	[smem:$0x3FA6] =	sst s2  }
0xb: {  	[smem:$0x3FA7] =	sst s3  }
0xc: {  	[smem:$0x3FA8] =	sst s4  }
0xd: {  	[smem:$0x3FA9] =	sst s5  }
0xe: {  	[smem:$0x3FAA] =	sst s6  }
0xf: {  	[smem:$0x3FAB] =	sst s7  }
0x10: {  	[smem:$0x3FAC] =	sst s8  }
0x11: {  	[smem:$0x3FAD] =	sst s9;
	s0 =	simm.s32 @!p0 $0x0  }
0x12: {  	s1 =	sld [smem:$0x3F93];
	s0 =	simm.s32 @p0 $0x1  }
0x13: {  	[smem:$0x3FAE] =	sst s0;
	s0 =	simm.s32 @!p1 $0x0  }
0x14: {  	s2 =	sld [smem:$0x3F92];
	s0 =	simm.s32 @p1 $0x1  }
0x15: {  	[smem:$0x3FAF] =	sst s0;
	s0 =	simm.s32 @!p2 $0x0  }
0x16: {  	s3 =	sld [smem:$0x3FDB];
	s0 =	simm.s32 @p2 $0x1  }
0x17: {  	s4 =	simm.s32 $0x1BF5;
	[smem:$0x3FB1] =	sst s0  }
0x18: {  	s0 =	sld [smem:$0x3F94];
	_ =	swait.ge [sflag:s4], $0x0  }
0x19: {  	s7 =	sld [smem:$0x3F95]  }
0x1a: {  	s8 =	sadd.s32 $0xFFFFE003, lr  }
0x1b: {  	s9 =	sadd.s32 $0xFFFFFEF7, lr;
	s5 =	simm.s32 $0xFFFFFFFF;
	p2 =	slt.u32 s8, $0xFFFFF086  }
0x1c: {  	p1 =	slt.u32 s9, $0xF7A;
	s5 =	simm.s32 @!p2 $0x0  }
0x1d: {  	s5 =	simm.s32 @p1 $0x1;
	p0 =	seq.s32 s7, s2  }
0x1e: {  	s7 =	smul.u32 @!p0 $0xF7A, s2;
	p2 =	seq.s32 @!p0 s5, $0x0  }
0x1f: {  	s9 =	smul.u32 $0xF7A, s1;
	s8 =	simm.s32 @!p0 $0x1BF5;
	p2 =	por !p2, p0  }
0x20: {  	[sflag:s8] =	ssyncset.s32 @!p0 $0xFFFFF086;
	s6 =	sadd.s32 @!p0 s3, s7;
	s7 =	simm.s32 @!p0 $0x108  }
0x21: {  	s3 =	sadd.s32 s3, s9;
	s6 =	sadd.s32 @!p0 $0x88, s6;
	s7 =	simm.s32 @p2 $0x1082  }
0x22: {  	[simem:s7], [sflag:s8] =	dma.local @!p0 [hbm:s6], $0xF7A  }
0x23: {  	s9 =	sor.u32 $0xD0000000, s2;
	s6 =	simm.s32 $0x108;
	_ =	swait.ge @!p0 [sflag:s8], $0x0  }
0x24: {  	s3 =	sadd.s32 $0x88, s3;
	s6 =	simm.s32 @!p1 $0x1082;
	[sflag:s4] =	ssyncset.s32 $0xFFFFF086  }
0x25: {  	[simem:s6], [sflag:s4] =	dma.local [hbm:s3], $0xF7A  }
0x26: {  	[smem:$0x3F95] =	sst s1;
	(tag) =	ssettag s2;
	_ =	strace s9  }
0x27: {  	s1 =	sld [smem:$0x3FA5]  }
0x28: {  	s2 =	sld [smem:$0x3FA6]  }
0x29: {  	s4 =	sld [smem:$0x3FA8]  }
0x2a: {  	p0 =	seq.s32 s5, $0x0;
	s5 =	sld [smem:$0x3FA9]  }
0x2b: {  	s6 =	sld [smem:$0x3FAA]  }
0x2c: {  	s7 =	sld [smem:$0x3FAB]  }
0x2d: {  	s3 =	simm.s32 $0x108;
	s8 =	sld [smem:$0x3FAC]  }
0x2e: {  	s3 =	simm.s32 @!p0 $0x1082;
	s9 =	sld [smem:$0x3FAD]  }
0x2f: {  	lr =	sadd.s32 s0, s3;
	s0 =	sld [smem:$0x3FA4]  }
0x30: {  	s3 =	sld [smem:$0x3FA7]  }
0x31: {  	[smem:$0x3FB0] =	sst s10  }
0x32: {  	s10 =	sld [smem:$0x3FAE];
	_ =	sdelay $0x3  }
0x33: {  	p0 =	seq.s32 s10, $0x1;
	s10 =	sld [smem:$0x3FB0];
	_ =	sdelay $0x3  }
0x34: {  	[smem:$0x3FB0] =	sst s10  }
0x35: {  	s10 =	sld [smem:$0x3FAF];
	_ =	sdelay $0x3  }
0x36: {  	p1 =	seq.s32 s10, $0x1;
	s10 =	sld [smem:$0x3FB0];
	_ =	sdelay $0x3  }
0x37: {  	[smem:$0x3FB0] =	sst s10  }
0x38: {  	s10 =	sld [smem:$0x3FB1]  }
0x39: {  	_ = 	snop;
	(pc) =	sbr.ind lr, $3  }
0x3a: {  	_ = 	snop  }
0x3b: {  	_ = 	snop  }
0x3c: {  	p2 =	seq.s32 s10, $0x1;
	s10 =	sld [smem:$0x3FB0]  }
0x3d: {  	_ =	shalt  }
0x3e: {  	_ =	shalt  }
0x3f: {  	_ =	shalt  }
0x40: {  	_ =	shalt  }
0x41: {  	_ =	shalt  }
0x42: {  	_ =	shalt  }
0x43: {  	_ =	shalt  }
0x44: {  	_ =	shalt  }
0x45: {  	_ =	shalt  }
0x46: {  	_ =	shalt  }
0x47: {  	_ =	shalt  }
0x48: {  	_ =	shalt  }
0x49: {  	_ =	shalt  }
0x4a: {  	_ =	shalt  }
0x4b: {  	_ =	shalt  }
0x4c: {  	_ =	shalt  }
0x4d: {  	_ =	shalt  }
0x4e: {  	_ =	shalt  }
0x4f: {  	_ =	shalt  }
0x50: {  	_ =	shalt  }
0x51: {  	_ =	shalt  }
0x52: {  	_ =	shalt  }
0x53: {  	_ =	shalt  }
0x54: {  	_ =	shalt  }
0x55: {  	_ =	shalt  }
0x56: {  	_ =	shalt  }
0x57: {  	_ =	shalt  }
0x58: {  	_ =	shalt  }
0x59: {  	_ =	shalt  }
0x5a: {  	_ =	shalt  }
0x5b: {  	_ =	shalt  }
0x5c: {  	_ =	shalt  }
0x5d: {  	_ =	shalt  }
0x5e: {  	_ =	shalt  }
0x5f: {  	_ =	shalt  }
0x60: {  	_ =	shalt  }
0x61: {  	_ =	shalt  }
0x62: {  	_ =	shalt  }
0x63: {  	_ =	shalt  }
0x64: {  	_ =	shalt  }
0x65: {  	_ =	shalt  }
0x66: {  	_ =	shalt  }
0x67: {  	_ =	shalt  }
0x68: {  	_ =	shalt  }
0x69: {  	_ =	shalt  }
0x6a: {  	_ =	shalt  }
0x6b: {  	_ =	shalt  }
0x6c: {  	_ =	shalt  }
0x6d: {  	_ =	shalt  }
0x6e: {  	_ =	shalt  }
0x6f: {  	_ =	shalt  }
0x70: {  	_ =	shalt  }
0x71: {  	_ =	shalt  }
0x72: {  	_ =	shalt  }
0x73: {  	_ =	shalt  }
0x74: {  	_ =	shalt  }
0x75: {  	_ =	shalt  }
0x76: {  	_ =	shalt  }
0x77: {  	_ =	shalt  }
0x78: {  	_ =	shalt  }
0x79: {  	_ =	shalt  }
0x7a: {  	_ =	shalt  }
0x7b: {  	_ =	shalt  }
0x7c: {  	_ =	shalt  }
0x7d: {  	_ =	shalt  }
0x7e: {  	_ =	shalt  }
0x7f: {  	_ =	shalt  }
0x80: {  	_ =	shalt  }
0x81: {  	_ =	shalt  }
0x82: {  	_ =	shalt  }
0x83: {  	_ =	shalt  }
0x84: {  	_ =	shalt  }
0x85: {  	_ =	shalt  }
0x86: {  	_ =	shalt  }
0x87: {  	_ =	shalt  }
.Lfunc_end0:
.L_simem_size_0:
called_computation.1_lowered:
.L_overlay_start_0:
0x88: {  	s2 =	sld [smem:$0x3FD9]  }
0x89: {  	s3 =	sld [smem:$0x3FFE];
	_ =	sdelay $0x1  }
0x8a: {  	s1 =	srdreg.scid  }
0x8b: {  	s0 =	sand.u32 $0x1, s1  }
0x8c: {  	s17 =	sshll.u32 s0, $0xA;
	s2 =	sadd.s32 s3, s2  }
0x8d: {  	s2 =	sadd.s32 s2, s17  }
0x8e: {  	[smem:$0x3FBC] =	sst s2  }
0x8f: {  	_ = 	snop  }
0x90: {  	(tm) =	ssettm $0x1  }
0x91: {  	s18 =	sld [smem:$0x3FFB];
	_ =	sdelay $0x3  }
0x92: {  	_ =	strace s18  }
0x93: {  	s2 =	sld [smem:$0x3FFC];
	_ =	sdelay $0x3  }
0x94: {  	_ =	strace s2  }
0x95: {  	s2 =	sld [smem:$0x3FFD];
	_ =	sdelay $0x3  }
0x96: {  	_ =	strace s2  }
0x97: {  	_ =	strace $0x8FFFFFFF  }
0x98: {  	s19 =	sld [smem:$0x3FDB];
	_ =	sdelay $0x1  }
0x99: {  	s20 =	simm.s32 $_scs_section_size  }
0x9a: {  	s4 =	simm.s32 $_size__tile_overlayer_lowered;
	s5 =	simm.s32 $_tile_overlayer_lowered  }
0x9b: {  	s6 =	simm.s32 $0x1BFF;
	s21 =	sshll.u32 s5, $0x1;
	s3 =	sadd.s32 s20, s19  }
0x9c: {  	s22 =	simm.s32 $0x0;
	s4 =	sshll.u32 s4, $0x1;
	s5 =	sadd.s32 s21, s3  }
0x9d: {  	[timem:s22], [sflag:s6] =	dma.local [hbm:s5], s4  }
0x9e: {  	_ =	swait.ge [sflag:s6], s4  }
0x9f: {  	s4 =	ssub.s32 $0x0, s4;
	[sflag:s6] =	ssyncset.done $0x0  }
0xa0: {  	[sflag:s6] =	ssyncadd.s32 s4;
	_ =	sdelay $0x1  }
0xa1: {  	s23 =	simm.s32 $0x1B8B  }
0xa2: {  	_ =	swait.ge [sflag:s23], $0x1  }
0xa3: {  	[sflag:s23] =	ssyncset.done $0x0  }
0xa4: {  	[sflag:s23] =	ssyncadd.s32 $0xFFFFFFFF  }
0xa5: {  	s4 =	sld [smem:$0x0]  }
0xa6: {  	s5 =	sand.u32 $0xFFFFFFFE, s1  }
0xa7: {  	p0 =	sne.s32 s1, s5  }
0xa8: {  	s5 =	sshll.u32 @p0 s5, $0xE  }
0xa9: {  	s5 =	sadd.s32 @p0 $0x11B8D, s5;
	s6 =	sshll.u32 @p0 s4, $0x11  }
0xaa: {  	s5 =	sor.u32 @p0 s6, s5  }
0xab: {  	[sflag:s5] =	ssyncadd.remote.s32 @p0 $0x1;
	_ =	sdelay $0x1  }
0xac: {  	s5 =	simm.s32 @p0 $0x1B8D  }
0xad: {  	_ =	swait.eq @p0 [sflag:s5], $0x1  }
0xae: {  	[sflag:s5] =	ssyncadd.s32 @p0 $0xFFFFFFFF  }
0xaf: {  	s6 =	sshll.u32 @!p0 s1, $0xE  }
0xb0: {  	s6 =	sor.u32 @!p0 $0x4000, s6;
	s5 =	simm.s32 @!p0 $0x1B8D  }
0xb1: {  	s4 =	sshll.u32 @!p0 s4, $0x11;
	s6 =	sadd.s32 @!p0 $0x11B8D, s6;
	_ =	swait.eq @!p0 [sflag:s5], $0x1  }
0xb2: {  	s4 =	sor.u32 @!p0 s4, s6;
	[sflag:s5] =	ssyncadd.s32 @!p0 $0xFFFFFFFF  }
0xb3: {  	s25 =	simm.s32 $0x1B8E;
	s24 =	sld [smem:$0x3FFE];
	[sflag:s4] =	ssyncadd.remote.s32 @!p0 $0x1  }
0xb4: {  	s26 =	simm.s32 $execute0_lowered;
	[smem:$0x3FD2] =	sst s25  }
0xb5: {  	s5 =	sshll.u32 s26, $0x1;
	_ =	strace $0x80000049;
	[dreg:$0x1] =	wrdreg $0xFFFFFFFF  }
0xb6: {  	s28 =	simm.s32 $_size_execute0_lowered;
	s3 =	sadd.s32 s3, s5;
	[dreg:$0x0] =	wrdreg $0x0  }
0xb7: {  	s5 =	sshll.u32 s28, $0x1;
	[dreg:$0x2] =	wrdreg s3  }
0xb8: {  	[dreg:$0x3] =	wrdreg s5  }
0xb9: {  	[dreg:$0x4] =	wrdreg $0xC0  }
0xba: {  	_ =	task [dreg:s22], $0x5FFFF  }
0xbb: {  	[dreg:$0x1] =	wrdreg $0xFFFFFFFF  }
0xbc: {  	[dreg:$0x0] =	wrdreg $0x60  }
0xbd: {  	[dreg:$0x2] =	wrdreg s24  }
0xbe: {  	[dreg:$0x3] =	wrdreg $0xA  }
0xbf: {  	_ =	task.clear_ibuf [dreg:s22], $0x4FFFF;
	_ =	strace $0x90000049  }
0xc0: {  	s29 =	simm.s32 $0xA;
	_ =	strace $0x8000004B  }
0xc1: {  	_ =	swait.ge [sflag:s29], $0x1  }
0xc2: {  	[sflag:s29] =	ssyncadd.s32 $0xFFFFFFFF  }
0xc3: {  	_ =	strace $0x9000004B  }
0xc4: {  	_ =	sfence  }
0xc5: {  	s30 =	sld [smem:$0x0];
	_ =	sdelay $0x2  }
0xc6: {  	s31 =	sshll.u32 s1, $0xD;
	s1 =	sshrl.u32 s1, $0x2  }
0xc7: {  	s4 =	sand.u32 $0x4000, s31;
	s1 =	sadd.s32 s1, s30  }
0xc8: {  	s0 =	sor.u32 s4, s0;
	s1 =	sshll.u32 s1, $0x11  }
0xc9: {  	s0 =	sor.u32 s1, s0  }
0xca: {  	s0 =	sadd.s32 $0x8F2B, s0  }
0xcb: {  	[sflag:s0] =	ssyncadd.remote.s32 $0x1  }
0xcc: {  	_ =	sfence.sel $0xFFFF  }
0xcd: {  	[dreg:$0x0] =	wrdreg $0xFFFFFFFF;
	(pc) =	sbr.abs _section_cstart, $3  }
0xce: {  	[dreg:$0x1] =	wrdreg $0xFFFFFFFF  }
0xcf: {  	_ =	task.clear_ibuf [dreg:s22], $0x2FFFF;
	_ =	strace $0x9FFFFFFF  }
0xd0: {  	(tm) =	ssettm $0x7FFFFFFF  }
0xd1: {  	_ =	shalt  }
tec
execute0_lowered:
.L_overlay_start_1:
0x0: {  	(tag) =	ssettag $0x1  }
0x1: {  	s1 =	srdreg.scid;
	s0 =	stileid.u32  }
0x2: {  	s14 =	sand.u32 $0x1, s1;
	s28 =	sshll.u32 s0, $0x1  }
0x3: {  	s8 =	sor.u32 s14, s28  }
0x4: {  	s9 =	rddreg [dreg:$0x0];
	s13 =	smul.u32 $0x1A00, s8  }
0x5: {  	s2 =	simm.s32 $0x0;
	s1 =	rddreg [dreg:$0x1]  }
0x6: {  	[smem:$0x7FF] =	sst s2;
	s15 =	sadd.s32 $0x1E00, s9;
	s3 =	sshrl.u32 s13, $0x3  }
0x7: {  	_ =	strace $0x8000004A;
	s4 =	sadd.s32 s15, s3;
	s3 =	simm.s32 $0x2  }
0x8: {  	[tilespmem:s2], [sflag:$0x2] =	stream.linear.gather [hbm4b:s4+s2], $0x680, $0x38;
	[tilespmem:$0xD680] =	vst v63  }
0x9: {  	_ =	swait.ge [sflag:s3], $0x680  }
0xa: {  	s6 =	simm.s32 $0x680;
	[sflag:s3] =	ssyncset.done $0x0  }
0xb: {  	s7 =	simm.s32 $0x1;
	s5 =	sadd.s32 $0x5D6000, s9;
	[sflag:s3] =	ssyncadd.s32 $0xFFFFF980  }
0xc: {  	[tilespmem:s6], [sflag:$0x1] =	stream.indirect.gather [hbm4b:s5+s6], $0x20, s2, s6, $0xb8;
	[tilespmem:$0xD680] =	vst v63  }
0xd: {  	s8 =	smul.u32 $0x6800, s8;
	_ =	swait.ge [sflag:s7], $0xD000  }
0xe: {  	s16 =	sadd.s32 $0xACBA00, s9;
	[sflag:s7] =	ssyncset.done $0x0  }
0xf: {  	s8 =	sadd.s32 s16, s8;
	[sflag:s7] =	ssyncadd.s32 $0xFFFF3000  }
0x10: {  	[hbm4b:s8+s2] =	stream.linear.scatter [tilespmem:s6], [sflag:$0x2], $0xD000, $0x38;
	[tilespmem:$0xD680] =	vst v63  }
0x11: {  	s10 =	sadd.s32 $0x680, s13;
	_ =	swait.ge [sflag:s3], $0xD000  }
0x12: {  	s29 =	sshrl.u32 s10, $0x3;
	[sflag:s3] =	ssyncset.done $0x0  }
0x13: {  	s9 =	sadd.s32 s15, s29;
	[sflag:s3] =	ssyncadd.s32 $0xFFFF3000  }
0x14: {  	[tilespmem:s2], [sflag:$0x2] =	stream.linear.gather [hbm4b:s9+s2], $0x680, $0x38;
	[tilespmem:$0xD680] =	vst v63  }
0x15: {  	_ =	swait.ge [sflag:s3], $0x680  }
0x16: {  	[sflag:s3] =	ssyncset.done $0x0  }
0x17: {  	[sflag:s3] =	ssyncadd.s32 $0xFFFFF980  }
0x18: {  	[tilespmem:s6], [sflag:$0x1] =	stream.indirect.gather [hbm4b:s5+s6], $0x20, s2, s6, $0xb8;
	[tilespmem:$0xD680] =	vst v63  }
0x19: {  	_ =	swait.ge [sflag:s7], $0xD000  }
0x1a: {  	s10 =	sshll.u32 s10, $0x2;
	[sflag:s7] =	ssyncset.done $0x0  }
0x1b: {  	s10 =	sadd.s32 s16, s10;
	[sflag:s7] =	ssyncadd.s32 $0xFFFF3000  }
0x1c: {  	[hbm4b:s10+s2] =	stream.linear.scatter [tilespmem:s6], [sflag:$0x2], $0xD000, $0x38;
	[tilespmem:$0xD680] =	vst v63  }
0x1d: {  	s12 =	sadd.s32 $0xD00, s13;
	_ =	swait.ge [sflag:s3], $0xD000  }
0x1e: {  	s11 =	sshrl.u32 s12, $0x3;
	[sflag:s3] =	ssyncset.done $0x0  }
0x1f: {  	s11 =	sadd.s32 s15, s11;
	[sflag:s3] =	ssyncadd.s32 $0xFFFF3000  }
0x20: {  	[tilespmem:s2], [sflag:$0x2] =	stream.linear.gather [hbm4b:s11+s2], $0x680, $0x38;
	[tilespmem:$0xD680] =	vst v63  }
0x21: {  	_ =	swait.ge [sflag:s3], $0x680  }
0x22: {  	[sflag:s3] =	ssyncset.done $0x0  }
0x23: {  	[sflag:s3] =	ssyncadd.s32 $0xFFFFF980  }
0x24: {  	[tilespmem:s6], [sflag:$0x1] =	stream.indirect.gather [hbm4b:s5+s6], $0x20, s2, s6, $0xb8;
	[tilespmem:$0xD680] =	vst v63  }
0x25: {  	_ =	swait.ge [sflag:s7], $0xD000  }
0x26: {  	s12 =	sshll.u32 s12, $0x2;
	[sflag:s7] =	ssyncset.done $0x0  }
0x27: {  	s12 =	sadd.s32 s16, s12;
	[sflag:s7] =	ssyncadd.s32 $0xFFFF3000  }
0x28: {  	[hbm4b:s12+s2] =	stream.linear.scatter [tilespmem:s6], [sflag:$0x2], $0xD000, $0x38;
	[tilespmem:$0xD680] =	vst v63  }
0x29: {  	s17 =	sadd.s32 $0x1380, s13;
	_ =	swait.ge [sflag:s3], $0xD000  }
0x2a: {  	s13 =	sshrl.u32 s17, $0x3;
	[sflag:s3] =	ssyncset.done $0x0  }
0x2b: {  	s14 =	ssub.s32 $0x2, s14;
	s13 =	sadd.s32 s15, s13;
	[sflag:s3] =	ssyncadd.s32 $0xFFFF3000  }
0x2c: {  	[tilespmem:s2], [sflag:$0x2] =	stream.linear.gather [hbm4b:s13+s2], $0x680, $0x38;
	[tilespmem:$0xD680] =	vst v63  }
0x2d: {  	s30 =	sshrl.u32 s14, $0x1;
	_ =	swait.ge [sflag:s3], $0x680  }
0x2e: {  	s15 =	ssub.s32 s14, s30;
	[sflag:s3] =	ssyncset.done $0x0  }
0x2f: {  	s15 =	smax.u32 s15, $0x1;
	[sflag:s3] =	ssyncadd.s32 $0xFFFFF980  }
0x30: {  	[tilespmem:s6], [sflag:$0x1] =	stream.indirect.gather [hbm4b:s5+s6], $0x20, s2, s6, $0xb8;
	[tilespmem:$0xD680] =	vst v63  }
0x31: {  	p0 =	sne.s32 s15, $0x1;
	_ =	swait.ge [sflag:s7], $0xD000  }
.Ltmp0:
0x32: {  	s31 =	sshll.u32 s17, $0x2;
	[sflag:s7] =	ssyncset.done $0x0;
	(pc) =	sbr.rel @!p0 .LBB2_2-.Ltmp0, $4  }
0x33: {  	s14 =	sadd.s32 s16, s31;
	[sflag:s7] =	ssyncadd.s32 $0xFFFF3000  }
0x34: {  	[hbm4b:s14+s2] =	stream.linear.scatter [tilespmem:s6], [sflag:$0x2], $0xD000, $0x38;
	[tilespmem:$0xD680] =	vst v63  }
0x35: {  	_ =	swait.ge [sflag:s3], $0xD000  }
0x36: {  	s15 =	sadd.s32 $0xFFFFFFFF, s15;
	[sflag:s3] =	ssyncset.done $0x0  }
.LBB2_1:
0x37: {  	p0 =	sne.s32 s15, $0x1;
	s15 =	sadd.s32 $0xFFFFFFFF, s15;
	[sflag:s3] =	ssyncadd.s32 $0xFFFF3000  }
0x38: {  	[tilespmem:s2], [sflag:$0x2] =	stream.linear.gather [hbm4b:s4+s2], $0x680, $0x38;
	[tilespmem:$0xD680] =	vst v63  }
0x39: {  	_ =	swait.ge [sflag:s3], $0x680  }
0x3a: {  	[sflag:s3] =	ssyncset.done $0x0  }
0x3b: {  	[sflag:s3] =	ssyncadd.s32 $0xFFFFF980  }
0x3c: {  	[tilespmem:s6], [sflag:$0x1] =	stream.indirect.gather [hbm4b:s5+s6], $0x20, s2, s6, $0xb8;
	[tilespmem:$0xD680] =	vst v63  }
0x3d: {  	_ =	swait.ge [sflag:s7], $0xD000  }
0x3e: {  	[sflag:s7] =	ssyncset.done $0x0  }
0x3f: {  	[sflag:s7] =	ssyncadd.s32 $0xFFFF3000  }
0x40: {  	[hbm4b:s8+s2] =	stream.linear.scatter [tilespmem:s6], [sflag:$0x2], $0xD000, $0x38;
	[tilespmem:$0xD680] =	vst v63  }
0x41: {  	_ =	swait.ge [sflag:s3], $0xD000  }
0x42: {  	[sflag:s3] =	ssyncset.done $0x0  }
0x43: {  	[sflag:s3] =	ssyncadd.s32 $0xFFFF3000  }
0x44: {  	[tilespmem:s2], [sflag:$0x2] =	stream.linear.gather [hbm4b:s9+s2], $0x680, $0x38;
	[tilespmem:$0xD680] =	vst v63  }
0x45: {  	_ =	swait.ge [sflag:s3], $0x680  }
0x46: {  	[sflag:s3] =	ssyncset.done $0x0  }
0x47: {  	[sflag:s3] =	ssyncadd.s32 $0xFFFFF980  }
0x48: {  	[tilespmem:s6], [sflag:$0x1] =	stream.indirect.gather [hbm4b:s5+s6], $0x20, s2, s6, $0xb8;
	[tilespmem:$0xD680] =	vst v63  }
0x49: {  	_ =	swait.ge [sflag:s7], $0xD000  }
0x4a: {  	[sflag:s7] =	ssyncset.done $0x0  }
0x4b: {  	[sflag:s7] =	ssyncadd.s32 $0xFFFF3000  }
0x4c: {  	[hbm4b:s10+s2] =	stream.linear.scatter [tilespmem:s6], [sflag:$0x2], $0xD000, $0x38;
	[tilespmem:$0xD680] =	vst v63  }
0x4d: {  	_ =	swait.ge [sflag:s3], $0xD000  }
0x4e: {  	[sflag:s3] =	ssyncset.done $0x0  }
0x4f: {  	[sflag:s3] =	ssyncadd.s32 $0xFFFF3000  }
0x50: {  	[tilespmem:s2], [sflag:$0x2] =	stream.linear.gather [hbm4b:s11+s2], $0x680, $0x38;
	[tilespmem:$0xD680] =	vst v63  }
0x51: {  	_ =	swait.ge [sflag:s3], $0x680  }
0x52: {  	[sflag:s3] =	ssyncset.done $0x0  }
0x53: {  	[sflag:s3] =	ssyncadd.s32 $0xFFFFF980  }
0x54: {  	[tilespmem:s6], [sflag:$0x1] =	stream.indirect.gather [hbm4b:s5+s6], $0x20, s2, s6, $0xb8;
	[tilespmem:$0xD680] =	vst v63  }
0x55: {  	_ =	swait.ge [sflag:s7], $0xD000  }
0x56: {  	[sflag:s7] =	ssyncset.done $0x0  }
0x57: {  	[sflag:s7] =	ssyncadd.s32 $0xFFFF3000  }
0x58: {  	[hbm4b:s12+s2] =	stream.linear.scatter [tilespmem:s6], [sflag:$0x2], $0xD000, $0x38;
	[tilespmem:$0xD680] =	vst v63  }
0x59: {  	_ =	swait.ge [sflag:s3], $0xD000  }
0x5a: {  	[sflag:s3] =	ssyncset.done $0x0  }
0x5b: {  	[sflag:s3] =	ssyncadd.s32 $0xFFFF3000  }
0x5c: {  	[tilespmem:s2], [sflag:$0x2] =	stream.linear.gather [hbm4b:s13+s2], $0x680, $0x38;
	[tilespmem:$0xD680] =	vst v63  }
0x5d: {  	_ =	swait.ge [sflag:s3], $0x680  }
0x5e: {  	[sflag:s3] =	ssyncset.done $0x0  }
0x5f: {  	[sflag:s3] =	ssyncadd.s32 $0xFFFFF980  }
0x60: {  	[tilespmem:s6], [sflag:$0x1] =	stream.indirect.gather [hbm4b:s5+s6], $0x20, s2, s6, $0xb8;
	[tilespmem:$0xD680] =	vst v63  }
0x61: {  	_ =	swait.ge [sflag:s7], $0xD000  }
.Ltmp1:
0x62: {  	[sflag:s7] =	ssyncset.done $0x0;
	(pc) =	sbr.rel @p0 .LBB2_1-.Ltmp1, $4  }
0x63: {  	[sflag:s7] =	ssyncadd.s32 $0xFFFF3000  }
0x64: {  	[hbm4b:s14+s2] =	stream.linear.scatter [tilespmem:s6], [sflag:$0x2], $0xD000, $0x38;
	[tilespmem:$0xD680] =	vst v63  }
0x65: {  	_ =	swait.ge [sflag:s3], $0xD000  }
0x66: {  	[sflag:s3] =	ssyncset.done $0x0  }
.LBB2_2:
0x67: {  	[sflag:s3] =	ssyncadd.s32 $0xFFFF3000  }
0x68: {  	_ =	sfence.sel $0x180000  }
0x69: {  	[bflag:$0x0] =	sbarrier.arrive $0xFFFF  }
0x6a: {  	p0 =	sne.s32 s0, $0x0;
	_ =	strace $0x9000004A  }
0x6b: {  	s0 =	sadd.s32 @!p0 $0x100000, s1;
	[bflag:$0x2] =	sbarrier.arrive $0xFFFF  }
0x6c: {  	[sflag:s0] =	ssyncadd.tile.s32 @!p0 $0x1;
	_ =	shalt  }
.Lfunc_end2:
_tile_overlayer_lowered:
.L_overlay_start_2:
0x6d: {  	(tag) =	ssettag $0x2  }
0x6e: {  	s0 =	rddreg [dreg:$0x0];
	s2 =	stileid.u32  }
0x6f: {  	s1 =	rddreg [dreg:$0x1];
	p0 =	sne.s32 s2, $0x0  }
0x70: {  	s3 =	rddreg [dreg:$0x2];
	[bflag:$0x3] =	sbarrier.arrive $0xFFFF;
	s2 =	simm.s32 @!p0 $0x1C02  }
0x71: {  	[timem:s3], [sflag:s2] =	dma.local @!p0 [hbm:s0], s1  }
0x72: {  	s0 =	simm.s32 @!p0 $0x2  }
0x73: {  	_ =	swait.ge @!p0 [sflag:s0], s1  }
0x74: {  	s1 =	ssub.s32 @!p0 $0x0, s1;
	[sflag:s0] =	ssyncset.done @!p0 $0x0  }
0x75: {  	[sflag:s0] =	ssyncadd.s32 @!p0 s1  }
0x76: {  	[bflag:$0x3] =	sbarrier.arrive $0xFFFF  }
0x77: {  	_ =	shalt  }

// kernel: kernel.7.cloned.1.call-start
scs
__scs_entry_jumppad:
0x0: {  	(pc) =	sbr.rel $0x88, $3  }
0x1: {  	(tag) =	ssettag $0x0;
	lr =	simm.s32 $0x1  }
0x2: {  	[smem:$0x3F95] =	sst lr;
	_ =	strace $0xD0000000  }
0x3: {  	_ = 	snop  }
0x4: {  	_ = 	snop  }
0x5: {  	_ = 	snop  }
0x6: {  	_ = 	snop  }
0x7: {  	_ = 	snop  }
__scs_overlays_trampoline_lowered:
0x8: {  	[smem:$0x3FA4] =	sst s0  }
0x9: {  	[smem:$0x3FA5] =	sst s1  }
0xa: {  	[smem:$0x3FA6] =	sst s2  }
0xb: {  	[smem:$0x3FA7] =	sst s3  }
0xc: {  	[smem:$0x3FA8] =	sst s4  }
0xd: {  	[smem:$0x3FA9] =	sst s5  }
0xe: {  	[smem:$0x3FAA] =	sst s6  }
0xf: {  	[smem:$0x3FAB] =	sst s7  }
0x10: {  	[smem:$0x3FAC] =	sst s8  }
0x11: {  	[smem:$0x3FAD] =	sst s9;
	s0 =	simm.s32 @!p0 $0x0  }
0x12: {  	s1 =	sld [smem:$0x3F93];
	s0 =	simm.s32 @p0 $0x1  }
0x13: {  	[smem:$0x3FAE] =	sst s0;
	s0 =	simm.s32 @!p1 $0x0  }
0x14: {  	s2 =	sld [smem:$0x3F92];
	s0 =	simm.s32 @p1 $0x1  }
0x15: {  	[smem:$0x3FAF] =	sst s0;
	s0 =	simm.s32 @!p2 $0x0  }
0x16: {  	s3 =	sld [smem:$0x3FDB];
	s0 =	simm.s32 @p2 $0x1  }
0x17: {  	s4 =	simm.s32 $0x1BF5;
	[smem:$0x3FB1] =	sst s0  }
0x18: {  	s0 =	sld [smem:$0x3F94];
	_ =	swait.ge [sflag:s4], $0x0  }
0x19: {  	s7 =	sld [smem:$0x3F95]  }
0x1a: {  	s8 =	sadd.s32 $0xFFFFE003, lr  }
0x1b: {  	s9 =	sadd.s32 $0xFFFFFEF7, lr;
	s5 =	simm.s32 $0xFFFFFFFF;
	p2 =	slt.u32 s8, $0xFFFFF086  }
0x1c: {  	p1 =	slt.u32 s9, $0xF7A;
	s5 =	simm.s32 @!p2 $0x0  }
0x1d: {  	s5 =	simm.s32 @p1 $0x1;
	p0 =	seq.s32 s7, s2  }
0x1e: {  	s7 =	smul.u32 @!p0 $0xF7A, s2;
	p2 =	seq.s32 @!p0 s5, $0x0  }
0x1f: {  	s9 =	smul.u32 $0xF7A, s1;
	s8 =	simm.s32 @!p0 $0x1BF5;
	p2 =	por !p2, p0  }
0x20: {  	[sflag:s8] =	ssyncset.s32 @!p0 $0xFFFFF086;
	s6 =	sadd.s32 @!p0 s3, s7;
	s7 =	simm.s32 @!p0 $0x108  }
0x21: {  	s3 =	sadd.s32 s3, s9;
	s6 =	sadd.s32 @!p0 $0x88, s6;
	s7 =	simm.s32 @p2 $0x1082  }
0x22: {  	[simem:s7], [sflag:s8] =	dma.local @!p0 [hbm:s6], $0xF7A  }
0x23: {  	s9 =	sor.u32 $0xD0000000, s2;
	s6 =	simm.s32 $0x108;
	_ =	swait.ge @!p0 [sflag:s8], $0x0  }
0x24: {  	s3 =	sadd.s32 $0x88, s3;
	s6 =	simm.s32 @!p1 $0x1082;
	[sflag:s4] =	ssyncset.s32 $0xFFFFF086  }
0x25: {  	[simem:s6], [sflag:s4] =	dma.local [hbm:s3], $0xF7A  }
0x26: {  	[smem:$0x3F95] =	sst s1;
	(tag) =	ssettag s2;
	_ =	strace s9  }
0x27: {  	s1 =	sld [smem:$0x3FA5]  }
0x28: {  	s2 =	sld [smem:$0x3FA6]  }
0x29: {  	s4 =	sld [smem:$0x3FA8]  }
0x2a: {  	p0 =	seq.s32 s5, $0x0;
	s5 =	sld [smem:$0x3FA9]  }
0x2b: {  	s6 =	sld [smem:$0x3FAA]  }
0x2c: {  	s7 =	sld [smem:$0x3FAB]  }
0x2d: {  	s3 =	simm.s32 $0x108;
	s8 =	sld [smem:$0x3FAC]  }
0x2e: {  	s3 =	simm.s32 @!p0 $0x1082;
	s9 =	sld [smem:$0x3FAD]  }
0x2f: {  	lr =	sadd.s32 s0, s3;
	s0 =	sld [smem:$0x3FA4]  }
0x30: {  	s3 =	sld [smem:$0x3FA7]  }
0x31: {  	[smem:$0x3FB0] =	sst s10  }
0x32: {  	s10 =	sld [smem:$0x3FAE];
	_ =	sdelay $0x3  }
0x33: {  	p0 =	seq.s32 s10, $0x1;
	s10 =	sld [smem:$0x3FB0];
	_ =	sdelay $0x3  }
0x34: {  	[smem:$0x3FB0] =	sst s10  }
0x35: {  	s10 =	sld [smem:$0x3FAF];
	_ =	sdelay $0x3  }
0x36: {  	p1 =	seq.s32 s10, $0x1;
	s10 =	sld [smem:$0x3FB0];
	_ =	sdelay $0x3  }
0x37: {  	[smem:$0x3FB0] =	sst s10  }
0x38: {  	s10 =	sld [smem:$0x3FB1]  }
0x39: {  	_ = 	snop;
	(pc) =	sbr.ind lr, $3  }
0x3a: {  	_ = 	snop  }
0x3b: {  	_ = 	snop  }
0x3c: {  	p2 =	seq.s32 s10, $0x1;
	s10 =	sld [smem:$0x3FB0]  }
0x3d: {  	_ =	shalt  }
0x3e: {  	_ =	shalt  }
0x3f: {  	_ =	shalt  }
0x40: {  	_ =	shalt  }
0x41: {  	_ =	shalt  }
0x42: {  	_ =	shalt  }
0x43: {  	_ =	shalt  }
0x44: {  	_ =	shalt  }
0x45: {  	_ =	shalt  }
0x46: {  	_ =	shalt  }
0x47: {  	_ =	shalt  }
0x48: {  	_ =	shalt  }
0x49: {  	_ =	shalt  }
0x4a: {  	_ =	shalt  }
0x4b: {  	_ =	shalt  }
0x4c: {  	_ =	shalt  }
0x4d: {  	_ =	shalt  }
0x4e: {  	_ =	shalt  }
0x4f: {  	_ =	shalt  }
0x50: {  	_ =	shalt  }
0x51: {  	_ =	shalt  }
0x52: {  	_ =	shalt  }
0x53: {  	_ =	shalt  }
0x54: {  	_ =	shalt  }
0x55: {  	_ =	shalt  }
0x56: {  	_ =	shalt  }
0x57: {  	_ =	shalt  }
0x58: {  	_ =	shalt  }
0x59: {  	_ =	shalt  }
0x5a: {  	_ =	shalt  }
0x5b: {  	_ =	shalt  }
0x5c: {  	_ =	shalt  }
0x5d: {  	_ =	shalt  }
0x5e: {  	_ =	shalt  }
0x5f: {  	_ =	shalt  }
0x60: {  	_ =	shalt  }
0x61: {  	_ =	shalt  }
0x62: {  	_ =	shalt  }
0x63: {  	_ =	shalt  }
0x64: {  	_ =	shalt  }
0x65: {  	_ =	shalt  }
0x66: {  	_ =	shalt  }
0x67: {  	_ =	shalt  }
0x68: {  	_ =	shalt  }
0x69: {  	_ =	shalt  }
0x6a: {  	_ =	shalt  }
0x6b: {  	_ =	shalt  }
0x6c: {  	_ =	shalt  }
0x6d: {  	_ =	shalt  }
0x6e: {  	_ =	shalt  }
0x6f: {  	_ =	shalt  }
0x70: {  	_ =	shalt  }
0x71: {  	_ =	shalt  }
0x72: {  	_ =	shalt  }
0x73: {  	_ =	shalt  }
0x74: {  	_ =	shalt  }
0x75: {  	_ =	shalt  }
0x76: {  	_ =	shalt  }
0x77: {  	_ =	shalt  }
0x78: {  	_ =	shalt  }
0x79: {  	_ =	shalt  }
0x7a: {  	_ =	shalt  }
0x7b: {  	_ =	shalt  }
0x7c: {  	_ =	shalt  }
0x7d: {  	_ =	shalt  }
0x7e: {  	_ =	shalt  }
0x7f: {  	_ =	shalt  }
0x80: {  	_ =	shalt  }
0x81: {  	_ =	shalt  }
0x82: {  	_ =	shalt  }
0x83: {  	_ =	shalt  }
0x84: {  	_ =	shalt  }
0x85: {  	_ =	shalt  }
0x86: {  	_ =	shalt  }
0x87: {  	_ =	shalt  }
.Lfunc_end0:
.L_simem_size_0:
called_computation_lowered:
.L_overlay_start_0:
0x88: {  	s2 =	sld [smem:$0x3FD9]  }
0x89: {  	s3 =	sld [smem:$0x3FFE];
	_ =	sdelay $0x1  }
0x8a: {  	s1 =	srdreg.scid  }
0x8b: {  	s0 =	sand.u32 $0x1, s1  }
0x8c: {  	s16 =	sshll.u32 s0, $0xA;
	s2 =	sadd.s32 s3, s2  }
0x8d: {  	s2 =	sadd.s32 s2, s16  }
0x8e: {  	[smem:$0x3FBC] =	sst s2  }
0x8f: {  	_ = 	snop  }
0x90: {  	(tm) =	ssettm $0x1  }
0x91: {  	s17 =	sld [smem:$0x3FFB];
	_ =	sdelay $0x3  }
0x92: {  	_ =	strace s17  }
0x93: {  	s2 =	sld [smem:$0x3FFC];
	_ =	sdelay $0x3  }
0x94: {  	_ =	strace s2  }
0x95: {  	s2 =	sld [smem:$0x3FFD];
	_ =	sdelay $0x3  }
0x96: {  	_ =	strace s2  }
0x97: {  	_ =	strace $0x8FFFFFFF  }
0x98: {  	s18 =	sld [smem:$0x3FDB];
	_ =	sdelay $0x1  }
0x99: {  	s19 =	simm.s32 $_scs_section_size  }
0x9a: {  	s4 =	simm.s32 $_size__tile_overlayer_lowered;
	s5 =	simm.s32 $_tile_overlayer_lowered  }
0x9b: {  	s22 =	simm.s32 $0x1BFF;
	s21 =	sshll.u32 s5, $0x1;
	s2 =	sadd.s32 s19, s18  }
0x9c: {  	s6 =	simm.s32 $0x0;
	s20 =	sshll.u32 s4, $0x1;
	s4 =	sadd.s32 s21, s2  }
0x9d: {  	[timem:s6], [sflag:s22] =	dma.local [hbm:s4], s20  }
0x9e: {  	_ =	swait.ge [sflag:s22], s20  }
0x9f: {  	s3 =	ssub.s32 $0x0, s20;
	[sflag:s22] =	ssyncset.done $0x0  }
0xa0: {  	[sflag:s22] =	ssyncadd.s32 s3;
	_ =	sdelay $0x1  }
0xa1: {  	s23 =	simm.s32 $0x1B8B  }
0xa2: {  	_ =	swait.ge [sflag:s23], $0x1  }
0xa3: {  	[sflag:s23] =	ssyncset.done $0x0  }
0xa4: {  	s25 =	simm.s32 $0x1B8E;
	s24 =	sld [smem:$0x3FFE];
	[sflag:s23] =	ssyncadd.s32 $0xFFFFFFFF  }
0xa5: {  	s26 =	simm.s32 $execute0_lowered;
	[smem:$0x3FD2] =	sst s25  }
0xa6: {  	s4 =	sshll.u32 s26, $0x1;
	_ =	strace $0x80000046;
	[dreg:$0x1] =	wrdreg $0xFFFFFFFF  }
0xa7: {  	s28 =	simm.s32 $_size_execute0_lowered;
	s2 =	sadd.s32 s2, s4;
	[dreg:$0x0] =	wrdreg $0x0  }
0xa8: {  	s4 =	sshll.u32 s28, $0x1;
	[dreg:$0x2] =	wrdreg s2  }
0xa9: {  	[dreg:$0x3] =	wrdreg s4  }
0xaa: {  	[dreg:$0x4] =	wrdreg $0xC0  }
0xab: {  	_ =	task [dreg:s6], $0x5FFFF  }
0xac: {  	[dreg:$0x1] =	wrdreg $0xFFFFFFFF  }
0xad: {  	[dreg:$0x0] =	wrdreg $0x60  }
0xae: {  	[dreg:$0x2] =	wrdreg s24  }
0xaf: {  	[dreg:$0x3] =	wrdreg $0x9  }
0xb0: {  	_ =	task.clear_ibuf [dreg:s6], $0x4FFFF;
	_ =	strace $0x90000046  }
0xb1: {  	s29 =	simm.s32 $0x9;
	_ =	strace $0x80000048  }
0xb2: {  	_ =	swait.ge [sflag:s29], $0x1  }
0xb3: {  	[sflag:s29] =	ssyncadd.s32 $0xFFFFFFFF  }
0xb4: {  	_ =	strace $0x90000048  }
0xb5: {  	_ =	sfence  }
0xb6: {  	s30 =	sld [smem:$0x0];
	_ =	sdelay $0x2  }
0xb7: {  	s31 =	sshll.u32 s1, $0xD;
	s1 =	sshrl.u32 s1, $0x2  }
0xb8: {  	s3 =	sand.u32 $0x4000, s31;
	s1 =	sadd.s32 s1, s30  }
0xb9: {  	s0 =	sor.u32 s3, s0;
	s1 =	sshll.u32 s1, $0x11  }
0xba: {  	s0 =	sor.u32 s1, s0  }
0xbb: {  	s0 =	sadd.s32 $0x8F2B, s0  }
0xbc: {  	[sflag:s0] =	ssyncadd.remote.s32 $0x1  }
0xbd: {  	_ =	sfence.sel $0xFFFF  }
0xbe: {  	[dreg:$0x0] =	wrdreg $0xFFFFFFFF;
	(pc) =	sbr.abs _section_cstart, $3  }
0xbf: {  	[dreg:$0x1] =	wrdreg $0xFFFFFFFF  }
0xc0: {  	_ =	task.clear_ibuf [dreg:s6], $0x2FFFF;
	_ =	strace $0x9FFFFFFF  }
0xc1: {  	(tm) =	ssettm $0x7FFFFFFF  }
tec
execute0_lowered:
.L_overlay_start_1:
0x0: {  	(tag) =	ssettag $0x1  }
0x1: {  	s1 =	srdreg.scid;
	s0 =	stileid.u32  }
0x2: {  	s14 =	sand.u32 $0x1, s1;
	s28 =	sshll.u32 s0, $0x1  }
0x3: {  	s8 =	sor.u32 s14, s28  }
0x4: {  	s9 =	rddreg [dreg:$0x0];
	s13 =	smul.u32 $0x1A00, s8  }
0x5: {  	s2 =	simm.s32 $0x0;
	s1 =	rddreg [dreg:$0x1]  }
0x6: {  	[smem:$0x7FF] =	sst s2;
	s15 =	sadd.s32 $0x9E00, s9;
	s3 =	sshrl.u32 s13, $0x3  }
0x7: {  	_ =	strace $0x80000047;
	s4 =	sadd.s32 s15, s3;
	s3 =	simm.s32 $0x2  }
0x8: {  	[tilespmem:s2], [sflag:$0x2] =	stream.linear.gather [hbm4b:s4+s2], $0x680, $0x38;
	[tilespmem:$0xD680] =	vst v63  }
0x9: {  	_ =	swait.ge [sflag:s3], $0x680  }
0xa: {  	s6 =	simm.s32 $0x680;
	[sflag:s3] =	ssyncset.done $0x0  }
0xb: {  	s7 =	simm.s32 $0x1;
	s5 =	sadd.s32 $0x10600, s9;
	[sflag:s3] =	ssyncadd.s32 $0xFFFFF980  }
0xc: {  	[tilespmem:s6], [sflag:$0x1] =	stream.indirect.gather [hbm4b:s5+s6], $0x20, s2, s6, $0xb8;
	[tilespmem:$0xD680] =	vst v63  }
0xd: {  	s8 =	smul.u32 $0x6800, s8;
	_ =	swait.ge [sflag:s7], $0xD000  }
0xe: {  	s16 =	sadd.s32 $0x506000, s9;
	[sflag:s7] =	ssyncset.done $0x0  }
0xf: {  	s8 =	sadd.s32 s16, s8;
	[sflag:s7] =	ssyncadd.s32 $0xFFFF3000  }
0x10: {  	[hbm4b:s8+s2] =	stream.linear.scatter [tilespmem:s6], [sflag:$0x2], $0xD000, $0x38;
	[tilespmem:$0xD680] =	vst v63  }
0x11: {  	s10 =	sadd.s32 $0x680, s13;
	_ =	swait.ge [sflag:s3], $0xD000  }
0x12: {  	s29 =	sshrl.u32 s10, $0x3;
	[sflag:s3] =	ssyncset.done $0x0  }
0x13: {  	s9 =	sadd.s32 s15, s29;
	[sflag:s3] =	ssyncadd.s32 $0xFFFF3000  }
0x14: {  	[tilespmem:s2], [sflag:$0x2] =	stream.linear.gather [hbm4b:s9+s2], $0x680, $0x38;
	[tilespmem:$0xD680] =	vst v63  }
0x15: {  	_ =	swait.ge [sflag:s3], $0x680  }
0x16: {  	[sflag:s3] =	ssyncset.done $0x0  }
0x17: {  	[sflag:s3] =	ssyncadd.s32 $0xFFFFF980  }
0x18: {  	[tilespmem:s6], [sflag:$0x1] =	stream.indirect.gather [hbm4b:s5+s6], $0x20, s2, s6, $0xb8;
	[tilespmem:$0xD680] =	vst v63  }
0x19: {  	_ =	swait.ge [sflag:s7], $0xD000  }
0x1a: {  	s10 =	sshll.u32 s10, $0x2;
	[sflag:s7] =	ssyncset.done $0x0  }
0x1b: {  	s10 =	sadd.s32 s16, s10;
	[sflag:s7] =	ssyncadd.s32 $0xFFFF3000  }
0x1c: {  	[hbm4b:s10+s2] =	stream.linear.scatter [tilespmem:s6], [sflag:$0x2], $0xD000, $0x38;
	[tilespmem:$0xD680] =	vst v63  }
0x1d: {  	s12 =	sadd.s32 $0xD00, s13;
	_ =	swait.ge [sflag:s3], $0xD000  }
0x1e: {  	s11 =	sshrl.u32 s12, $0x3;
	[sflag:s3] =	ssyncset.done $0x0  }
0x1f: {  	s11 =	sadd.s32 s15, s11;
	[sflag:s3] =	ssyncadd.s32 $0xFFFF3000  }
0x20: {  	[tilespmem:s2], [sflag:$0x2] =	stream.linear.gather [hbm4b:s11+s2], $0x680, $0x38;
	[tilespmem:$0xD680] =	vst v63  }
0x21: {  	_ =	swait.ge [sflag:s3], $0x680  }
0x22: {  	[sflag:s3] =	ssyncset.done $0x0  }
0x23: {  	[sflag:s3] =	ssyncadd.s32 $0xFFFFF980  }
0x24: {  	[tilespmem:s6], [sflag:$0x1] =	stream.indirect.gather [hbm4b:s5+s6], $0x20, s2, s6, $0xb8;
	[tilespmem:$0xD680] =	vst v63  }
0x25: {  	_ =	swait.ge [sflag:s7], $0xD000  }
0x26: {  	s12 =	sshll.u32 s12, $0x2;
	[sflag:s7] =	ssyncset.done $0x0  }
0x27: {  	s12 =	sadd.s32 s16, s12;
	[sflag:s7] =	ssyncadd.s32 $0xFFFF3000  }
0x28: {  	[hbm4b:s12+s2] =	stream.linear.scatter [tilespmem:s6], [sflag:$0x2], $0xD000, $0x38;
	[tilespmem:$0xD680] =	vst v63  }
0x29: {  	s17 =	sadd.s32 $0x1380, s13;
	_ =	swait.ge [sflag:s3], $0xD000  }
0x2a: {  	s13 =	sshrl.u32 s17, $0x3;
	[sflag:s3] =	ssyncset.done $0x0  }
0x2b: {  	s14 =	ssub.s32 $0x2, s14;
	s13 =	sadd.s32 s15, s13;
	[sflag:s3] =	ssyncadd.s32 $0xFFFF3000  }
0x2c: {  	[tilespmem:s2], [sflag:$0x2] =	stream.linear.gather [hbm4b:s13+s2], $0x680, $0x38;
	[tilespmem:$0xD680] =	vst v63  }
0x2d: {  	s30 =	sshrl.u32 s14, $0x1;
	_ =	swait.ge [sflag:s3], $0x680  }
0x2e: {  	s15 =	ssub.s32 s14, s30;
	[sflag:s3] =	ssyncset.done $0x0  }
0x2f: {  	s15 =	smax.u32 s15, $0x1;
	[sflag:s3] =	ssyncadd.s32 $0xFFFFF980  }
0x30: {  	[tilespmem:s6], [sflag:$0x1] =	stream.indirect.gather [hbm4b:s5+s6], $0x20, s2, s6, $0xb8;
	[tilespmem:$0xD680] =	vst v63  }
0x31: {  	p0 =	sne.s32 s15, $0x1;
	_ =	swait.ge [sflag:s7], $0xD000  }
.Ltmp0:
0x32: {  	s31 =	sshll.u32 s17, $0x2;
	[sflag:s7] =	ssyncset.done $0x0;
	(pc) =	sbr.rel @!p0 .LBB2_2-.Ltmp0, $4  }
0x33: {  	s14 =	sadd.s32 s16, s31;
	[sflag:s7] =	ssyncadd.s32 $0xFFFF3000  }
0x34: {  	[hbm4b:s14+s2] =	stream.linear.scatter [tilespmem:s6], [sflag:$0x2], $0xD000, $0x38;
	[tilespmem:$0xD680] =	vst v63  }
0x35: {  	_ =	swait.ge [sflag:s3], $0xD000  }
0x36: {  	s15 =	sadd.s32 $0xFFFFFFFF, s15;
	[sflag:s3] =	ssyncset.done $0x0  }
.LBB2_1:
0x37: {  	p0 =	sne.s32 s15, $0x1;
	s15 =	sadd.s32 $0xFFFFFFFF, s15;
	[sflag:s3] =	ssyncadd.s32 $0xFFFF3000  }
0x38: {  	[tilespmem:s2], [sflag:$0x2] =	stream.linear.gather [hbm4b:s4+s2], $0x680, $0x38;
	[tilespmem:$0xD680] =	vst v63  }
0x39: {  	_ =	swait.ge [sflag:s3], $0x680  }
0x3a: {  	[sflag:s3] =	ssyncset.done $0x0  }
0x3b: {  	[sflag:s3] =	ssyncadd.s32 $0xFFFFF980  }
0x3c: {  	[tilespmem:s6], [sflag:$0x1] =	stream.indirect.gather [hbm4b:s5+s6], $0x20, s2, s6, $0xb8;
	[tilespmem:$0xD680] =	vst v63  }
0x3d: {  	_ =	swait.ge [sflag:s7], $0xD000  }
0x3e: {  	[sflag:s7] =	ssyncset.done $0x0  }
0x3f: {  	[sflag:s7] =	ssyncadd.s32 $0xFFFF3000  }
0x40: {  	[hbm4b:s8+s2] =	stream.linear.scatter [tilespmem:s6], [sflag:$0x2], $0xD000, $0x38;
	[tilespmem:$0xD680] =	vst v63  }
0x41: {  	_ =	swait.ge [sflag:s3], $0xD000  }
0x42: {  	[sflag:s3] =	ssyncset.done $0x0  }
0x43: {  	[sflag:s3] =	ssyncadd.s32 $0xFFFF3000  }
0x44: {  	[tilespmem:s2], [sflag:$0x2] =	stream.linear.gather [hbm4b:s9+s2], $0x680, $0x38;
	[tilespmem:$0xD680] =	vst v63  }
0x45: {  	_ =	swait.ge [sflag:s3], $0x680  }
0x46: {  	[sflag:s3] =	ssyncset.done $0x0  }
0x47: {  	[sflag:s3] =	ssyncadd.s32 $0xFFFFF980  }
0x48: {  	[tilespmem:s6], [sflag:$0x1] =	stream.indirect.gather [hbm4b:s5+s6], $0x20, s2, s6, $0xb8;
	[tilespmem:$0xD680] =	vst v63  }
0x49: {  	_ =	swait.ge [sflag:s7], $0xD000  }
0x4a: {  	[sflag:s7] =	ssyncset.done $0x0  }
0x4b: {  	[sflag:s7] =	ssyncadd.s32 $0xFFFF3000  }
0x4c: {  	[hbm4b:s10+s2] =	stream.linear.scatter [tilespmem:s6], [sflag:$0x2], $0xD000, $0x38;
	[tilespmem:$0xD680] =	vst v63  }
0x4d: {  	_ =	swait.ge [sflag:s3], $0xD000  }
0x4e: {  	[sflag:s3] =	ssyncset.done $0x0  }
0x4f: {  	[sflag:s3] =	ssyncadd.s32 $0xFFFF3000  }
0x50: {  	[tilespmem:s2], [sflag:$0x2] =	stream.linear.gather [hbm4b:s11+s2], $0x680, $0x38;
	[tilespmem:$0xD680] =	vst v63  }
0x51: {  	_ =	swait.ge [sflag:s3], $0x680  }
0x52: {  	[sflag:s3] =	ssyncset.done $0x0  }
0x53: {  	[sflag:s3] =	ssyncadd.s32 $0xFFFFF980  }
0x54: {  	[tilespmem:s6], [sflag:$0x1] =	stream.indirect.gather [hbm4b:s5+s6], $0x20, s2, s6, $0xb8;
	[tilespmem:$0xD680] =	vst v63  }
0x55: {  	_ =	swait.ge [sflag:s7], $0xD000  }
0x56: {  	[sflag:s7] =	ssyncset.done $0x0  }
0x57: {  	[sflag:s7] =	ssyncadd.s32 $0xFFFF3000  }
0x58: {  	[hbm4b:s12+s2] =	stream.linear.scatter [tilespmem:s6], [sflag:$0x2], $0xD000, $0x38;
	[tilespmem:$0xD680] =	vst v63  }
0x59: {  	_ =	swait.ge [sflag:s3], $0xD000  }
0x5a: {  	[sflag:s3] =	ssyncset.done $0x0  }
0x5b: {  	[sflag:s3] =	ssyncadd.s32 $0xFFFF3000  }
0x5c: {  	[tilespmem:s2], [sflag:$0x2] =	stream.linear.gather [hbm4b:s13+s2], $0x680, $0x38;
	[tilespmem:$0xD680] =	vst v63  }
0x5d: {  	_ =	swait.ge [sflag:s3], $0x680  }
0x5e: {  	[sflag:s3] =	ssyncset.done $0x0  }
0x5f: {  	[sflag:s3] =	ssyncadd.s32 $0xFFFFF980  }
0x60: {  	[tilespmem:s6], [sflag:$0x1] =	stream.indirect.gather [hbm4b:s5+s6], $0x20, s2, s6, $0xb8;
	[tilespmem:$0xD680] =	vst v63  }
0x61: {  	_ =	swait.ge [sflag:s7], $0xD000  }
.Ltmp1:
0x62: {  	[sflag:s7] =	ssyncset.done $0x0;
	(pc) =	sbr.rel @p0 .LBB2_1-.Ltmp1, $4  }
0x63: {  	[sflag:s7] =	ssyncadd.s32 $0xFFFF3000  }
0x64: {  	[hbm4b:s14+s2] =	stream.linear.scatter [tilespmem:s6], [sflag:$0x2], $0xD000, $0x38;
	[tilespmem:$0xD680] =	vst v63  }
0x65: {  	_ =	swait.ge [sflag:s3], $0xD000  }
0x66: {  	[sflag:s3] =	ssyncset.done $0x0  }
.LBB2_2:
0x67: {  	[sflag:s3] =	ssyncadd.s32 $0xFFFF3000  }
0x68: {  	_ =	sfence.sel $0x180000  }
0x69: {  	[bflag:$0x0] =	sbarrier.arrive $0xFFFF  }
0x6a: {  	p0 =	sne.s32 s0, $0x0;
	_ =	strace $0x90000047  }
0x6b: {  	s0 =	sadd.s32 @!p0 $0x100000, s1;
	[bflag:$0x2] =	sbarrier.arrive $0xFFFF  }
0x6c: {  	[sflag:s0] =	ssyncadd.tile.s32 @!p0 $0x1;
	_ =	shalt  }
.Lfunc_end2:
_tile_overlayer_lowered:
.L_overlay_start_2:
0x6d: {  	(tag) =	ssettag $0x2  }
0x6e: {  	s0 =	rddreg [dreg:$0x0];
	s2 =	stileid.u32  }
0x6f: {  	s1 =	rddreg [dreg:$0x1];
	p0 =	sne.s32 s2, $0x0  }
0x70: {  	s3 =	rddreg [dreg:$0x2];
	[bflag:$0x3] =	sbarrier.arrive $0xFFFF;
	s2 =	simm.s32 @!p0 $0x1C02  }
0x71: {  	[timem:s3], [sflag:s2] =	dma.local @!p0 [hbm:s0], s1  }
0x72: {  	s0 =	simm.s32 @!p0 $0x2  }
0x73: {  	_ =	swait.ge @!p0 [sflag:s0], s1  }
0x74: {  	s1 =	ssub.s32 @!p0 $0x0, s1;
	[sflag:s0] =	ssyncset.done @!p0 $0x0  }
0x75: {  	[sflag:s0] =	ssyncadd.s32 @!p0 s1  }
0x76: {  	[bflag:$0x3] =	sbarrier.arrive $0xFFFF  }
0x77: {  	_ =	shalt  }

</sc_bundles>
